<compile_context>
chip_gen: v7x
topology: tpu7x:2x2x1
jax: 0.10.2.dev20260603
libtpu: 0.0.44.dev20260713+nightly
codegen_flags: <defaults>
</compile_context>

<pallas_src>
import functools

import jax
import jax.numpy as jnp
from jax import lax
from jax.experimental import pallas as pl
from jax.experimental.pallas import tpu as pltpu
from jax.experimental.pallas import tpu_sc as plsc

Q = 1024
N = 1000
LANES = 16
QCHUNKS = Q // LANES
NC = 2
NS = 16
NW = NC * NS
J_PER_W = 32
NOUT = NW * LANES + 2 * LANES


def _sc_partials(rt, par):
    mesh = plsc.VectorSubcoreMesh(core_axis_name="c", subcore_axis_name="s")

    @functools.partial(
        pl.kernel,
        mesh=mesh,
        compiler_params=pltpu.CompilerParams(use_tc_tiling_on_sc=True,
                                             needs_layout_passes=False),
        out_type=jax.ShapeDtypeStruct((NOUT,), jnp.float32),
        scratch_types=[
            pltpu.VMEM((J_PER_W, Q), jnp.float32),
            pltpu.VMEM((J_PER_W, Q), jnp.float32),
            pltpu.VMEM((J_PER_W,), jnp.int32),
            pltpu.VMEM((7 * LANES,), jnp.int32),
            pltpu.VMEM((J_PER_W + LANES,), jnp.float32),
            pltpu.VMEM((LANES,), jnp.float32),
            pltpu.VMEM((2 * LANES,), jnp.float32),
            pltpu.SemaphoreType.DMA,
        ],
    )
    def k(rt_hbm, par_hbm, out_hbm, myrows_v, grows_v, par_v, par100_v,
          w_v, acc_v, cum_v, sem):
        wid = lax.axis_index("s") * NC + lax.axis_index("c")
        lo = jnp.minimum(wid * J_PER_W, N - J_PER_W)
        pltpu.sync_copy(par_hbm.at[pl.ds(lo, J_PER_W)], par_v)
        gather = pltpu.async_copy(rt_hbm.at[par_v], grows_v, sem)
        pltpu.sync_copy(rt_hbm.at[pl.ds(lo, J_PER_W)], myrows_v)

        lane = lax.iota(jnp.int32, LANES)
        for h in range(J_PER_W // LANES + 1):
            jg = lane + (lo + h * LANES)
            wvec = jnp.where((jg >= wid * J_PER_W) & (jg < lo + J_PER_W),
                             1.0 / (jg + 1).astype(jnp.float32), 0.0)
            w_v[pl.ds(h * LANES, LANES)] = wvec

        gather.wait()

        @plsc.parallel_loop(0, J_PER_W, carry=jnp.zeros((LANES,), jnp.float32))
        def acc(j, acc):
            wj = w_v[pl.ds(j, LANES)][0]
            t = jnp.zeros((LANES,), jnp.float32)
            for c in range(QCHUNKS):
                a = myrows_v[j, pl.ds(c * LANES, LANES)]
                b = grows_v[j, pl.ds(c * LANES, LANES)]
                t = t + a * b
            return acc + wj * t
        acc_v[...] = acc
        pltpu.sync_copy(acc_v, out_hbm.at[pl.ds(wid * LANES, LANES)])

        @pl.when(wid == 0)
        def _():
            pltpu.sync_copy(par_hbm.at[pl.ds(0, 7 * LANES)], par100_v)
            cums = jnp.zeros((LANES,), jnp.float32)
            for c in range(6):
                cums = cums + par100_v[pl.ds(c * LANES, LANES)].astype(
                    jnp.float32)
            tail = par100_v[pl.ds(6 * LANES, LANES)].astype(jnp.float32)
            cums = cums + jnp.where(lane < 4, tail, 0.0)
            cum_v[pl.ds(0, LANES)] = cums
            cum_v[pl.ds(LANES, LANES)] = jnp.zeros((LANES,), jnp.float32)
            pltpu.sync_copy(cum_v, out_hbm.at[pl.ds(NW * LANES, 2 * LANES)])

    return k(rt, par)


def _tc_epilogue(partials):

    def body(p_ref, map_ref, cum_ref):
        total = jnp.sum(p_ref[pl.ds(0, NW * LANES)])
        cums = jnp.sum(p_ref[pl.ds(NW * LANES, 2 * LANES)])
        map_ref[...] = jnp.full((1,), total / (N * Q), jnp.float32)
        cum_ref[...] = jnp.full((Q,), cums / 100.0, jnp.float32)

    return pl.pallas_call(
        body,
        out_shape=(
            jax.ShapeDtypeStruct((1,), jnp.float32),
            jax.ShapeDtypeStruct((Q,), jnp.float32),
        ),
    )(partials)


def kernel(relevances, precision_at_ranks):
    rt = relevances.astype(jnp.float32).T
    par = precision_at_ranks.astype(jnp.int32)
    partials = _sc_partials(rt, par)
    map_out, cum_out = _tc_epilogue(partials)
    return (map_out[0], cum_out)

# --- scband reference (transcript-rebuilt; emitter-appended) ---
"""Pipeline reference for scband-m-apat100-37074157699737 (READ-ONLY COPY).

The authoritative reference and input builder live on the scoring server;
editing this copy changes nothing except your own understanding.
"""

import jax, jax.numpy as jnp
import numpy as np


def setup_inputs(seed: int = 0) -> dict:
    key = jax.random.key(seed)
    k1, k2 = jax.random.split(key)
    num_queries = 1024
    num_index_images = 1000
    num_predictions = 1000
    relevances = jax.random.randint(k1, (num_queries, num_index_images), 0, 2).astype(jnp.float32)
    precision_at_ranks = jax.random.randint(k2, (num_predictions,), 0, num_index_images).astype(jnp.int64)
    return {"relevances": relevances, "precision_at_ranks": precision_at_ranks}


def reference(relevances, precision_at_ranks):
    # Faithful vectorized translation of the torch loops.
    num_queries = relevances.shape[0]
    num_index_images = relevances.shape[1]
    num_predictions = precision_at_ranks.shape[0]
    # precision_at_r[j] = relevances[i, par[j]] / (j + 1)  (gather + scale)
    ranks = jnp.arange(1, num_predictions + 1, dtype=relevances.dtype)  # [P]
    gathered = jnp.take(relevances, precision_at_ranks, axis=1)  # [Q, P]
    precision_at_r = gathered / ranks  # [Q, P]
    # average_precision[i] = (relevances[i] * precision_at_r[i]).sum() / num_index_images
    average_precision = (relevances * precision_at_r).sum(axis=1) / num_index_images  # [Q]
    # cumulative_precision[i] = par[:100].float().mean()  (same constant for every query)
    cum_val = precision_at_ranks[:100].astype(jnp.float32).mean()
    cumulative_precision = jnp.full((num_queries,), cum_val, dtype=jnp.float32)
    mAP_at_100 = average_precision.mean()
    return (mAP_at_100, cumulative_precision)

if __name__ == "__main__":
    import jax
    _d = setup_inputs()
    print(jax.jit(kernel)(*tuple(_d.values())))

</pallas_src>

<mosaic_0001>
#map = affine_map<(d0, d1) -> (0, 0)>
#map1 = affine_map<(d0, d1) -> (0)>
module attributes {stable_mosaic.version = 14 : i64} {
  func.func @k(%arg0: i32, %arg1: i32, %arg2: memref<1000x1024xf32, #tpu.memory_space<hbm>>, %arg3: memref<1000xi32, #tpu.memory_space<hbm>>, %arg4: memref<544xf32, #tpu.memory_space<hbm>>, %arg5: memref<32x1024xf32, #tpu.memory_space<vmem>>, %arg6: memref<32x1024xf32, #tpu.memory_space<vmem>>, %arg7: memref<32xi32, #tpu.memory_space<vmem>>, %arg8: memref<112xi32, #tpu.memory_space<vmem>>, %arg9: memref<48xf32, #tpu.memory_space<vmem>>, %arg10: memref<16xf32, #tpu.memory_space<vmem>>, %arg11: memref<32xf32, #tpu.memory_space<vmem>>, %arg12: memref<!tpu.dma_semaphore, #tpu.memory_space<semaphore_mem>>) attributes {dimension_semantics = [#tpu.dimension_semantics<core_parallel>, #tpu.dimension_semantics<subcore_parallel>], iteration_bounds = array<i64: 2, 16>, scalar_prefetch = 0 : i64, scratch_operands = 8 : i64, tpu.core_type = #tpu.core_type<sc_vector_subcore>, window_params = [{transform_indices = #map}, {transform_indices = #map1}, {transform_indices = #map1}]} {
    %mul3A = arith.constant 2 : i32
    %mul3A_0 = arith.muli %arg1, %mul3A : i32
    %add3A = arith.addi %mul3A_0, %arg0 : i32
    %mul3A_1 = arith.constant 32 : i32
    %mul3A_2 = arith.muli %add3A, %mul3A_1 : i32
    %min3A = arith.constant 968 : i32
    %min3A_3 = arith.minsi %mul3A_2, %min3A : i32
    "tpu.region"() ({
      %run_scoped3A = tpu.sem_alloc : memref<!tpu.dma_semaphore, #tpu.memory_space<semaphore_mem>>
      %dma_start3A_86 = tpu.memref_slice %arg3[%min3A_3] : memref<1000xi32, #tpu.memory_space<hbm>> -> memref<32xi32, #tpu.memory_space<hbm>>
      %dma_start3A_87 = tpu.memref_slice %arg3[%min3A_3] : memref<1000xi32, #tpu.memory_space<hbm>> -> memref<32xi32, #tpu.memory_space<hbm>>
      tpu.enqueue_dma source(%dma_start3A_87 : memref<32xi32, #tpu.memory_space<hbm>>) target(%arg7 : memref<32xi32, #tpu.memory_space<vmem>>) target_semaphore(%run_scoped3A : memref<!tpu.dma_semaphore, #tpu.memory_space<semaphore_mem>>)
      %dma_wait3A_88 = tpu.memref_slice %arg3[%min3A_3] : memref<1000xi32, #tpu.memory_space<hbm>> -> memref<32xi32, #tpu.memory_space<hbm>>
      %dma_wait3A_89 = tpu.memref_slice %arg3[%min3A_3] : memref<1000xi32, #tpu.memory_space<hbm>> -> memref<32xi32, #tpu.memory_space<hbm>>
      tpu.wait_dma2 semaphore(%run_scoped3A : memref<!tpu.dma_semaphore, #tpu.memory_space<semaphore_mem>>) src(%dma_wait3A_89 : memref<32xi32, #tpu.memory_space<hbm>>) dst(%arg7 : memref<32xi32, #tpu.memory_space<vmem>>)
      tpu.yield
    }) : () -> ()
    %dma_start3A = arith.constant 0 : i32
    %dma_start3A_4 = arith.constant 0 : i32
    %dma_start3A_5 = tpu.memref_slice %arg2[%dma_start3A, %dma_start3A_4] : memref<1000x1024xf32, #tpu.memory_space<hbm>> -> memref<1000x1024xf32, #tpu.memory_space<hbm>>
    tpu.enqueue_indirect_dma source(%dma_start3A_5 : memref<1000x1024xf32, #tpu.memory_space<hbm>>) target(%arg6 : memref<32x1024xf32, #tpu.memory_space<vmem>>) offsets(%arg7 : memref<32xi32, #tpu.memory_space<vmem>>) semaphore(%arg12 : memref<!tpu.dma_semaphore, #tpu.memory_space<semaphore_mem>>)
    "tpu.region"() ({
      %run_scoped3A = tpu.sem_alloc : memref<!tpu.dma_semaphore, #tpu.memory_space<semaphore_mem>>
      %dma_start3A_86 = arith.constant 0 : i32
      %dma_start3A_87 = tpu.memref_slice %arg2[%min3A_3, %dma_start3A_86] : memref<1000x1024xf32, #tpu.memory_space<hbm>> -> memref<32x1024xf32, #tpu.memory_space<hbm>>
      %dma_start3A_88 = arith.constant 0 : i32
      %dma_start3A_89 = tpu.memref_slice %arg2[%min3A_3, %dma_start3A_88] : memref<1000x1024xf32, #tpu.memory_space<hbm>> -> memref<32x1024xf32, #tpu.memory_space<hbm>>
      tpu.enqueue_dma source(%dma_start3A_89 : memref<32x1024xf32, #tpu.memory_space<hbm>>) target(%arg5 : memref<32x1024xf32, #tpu.memory_space<vmem>>) target_semaphore(%run_scoped3A : memref<!tpu.dma_semaphore, #tpu.memory_space<semaphore_mem>>)
      %dma_wait3A_90 = arith.constant 0 : i32
      %dma_wait3A_91 = tpu.memref_slice %arg2[%min3A_3, %dma_wait3A_90] : memref<1000x1024xf32, #tpu.memory_space<hbm>> -> memref<32x1024xf32, #tpu.memory_space<hbm>>
      %dma_wait3A_92 = arith.constant 0 : i32
      %dma_wait3A_93 = tpu.memref_slice %arg2[%min3A_3, %dma_wait3A_92] : memref<1000x1024xf32, #tpu.memory_space<hbm>> -> memref<32x1024xf32, #tpu.memory_space<hbm>>
      tpu.wait_dma2 semaphore(%run_scoped3A : memref<!tpu.dma_semaphore, #tpu.memory_space<semaphore_mem>>) src(%dma_wait3A_93 : memref<32x1024xf32, #tpu.memory_space<hbm>>) dst(%arg5 : memref<32x1024xf32, #tpu.memory_space<vmem>>)
      tpu.yield
    }) : () -> ()
    %iota3A = tpu.iota {dimensions = array<i32: 0>} : vector<16xi32>
    %add3A_6 = arith.constant 0 : i32
    %add3A_7 = arith.addi %min3A_3, %add3A_6 : i32
    %add3A_8 = vector.broadcast %add3A_7 : i32 to vector<16xi32>
    %add3A_9 = arith.addi %iota3A, %add3A_8 : vector<16xi32>
    %mul3A_10 = arith.constant 32 : i32
    %mul3A_11 = arith.muli %add3A, %mul3A_10 : i32
    %ge3A = vector.broadcast %mul3A_11 : i32 to vector<16xi32>
    %ge3A_12 = arith.cmpi sge, %add3A_9, %ge3A : vector<16xi32>
    %add3A_13 = arith.constant 32 : i32
    %add3A_14 = arith.addi %min3A_3, %add3A_13 : i32
    %lt3A = vector.broadcast %add3A_14 : i32 to vector<16xi32>
    %lt3A_15 = arith.cmpi slt, %add3A_9, %lt3A : vector<16xi32>
    %and3A = arith.andi %ge3A_12, %lt3A_15 : vector<16xi1>
    %add3A_16 = arith.constant 1 : i32
    %add3A_17 = vector.broadcast %add3A_16 : i32 to vector<16xi32>
    %add3A_18 = arith.addi %add3A_9, %add3A_17 : vector<16xi32>
    %convert_element_type3A = arith.sitofp %add3A_18 : vector<16xi32> to vector<16xf32>
    %div3A = arith.constant 1.000000e+00 : f32
    %div3A_19 = vector.broadcast %div3A : f32 to vector<16xf32>
    %div3A_20 = arith.divf %div3A_19, %convert_element_type3A : vector<16xf32>
    %jit3A = arith.constant 0.000000e+00 : f32
    %broadcast_in_dim3A = vector.broadcast %jit3A : f32 to vector<16xf32>
    %select_n3A = arith.select %and3A, %div3A_20, %broadcast_in_dim3A : vector<16xi1>, vector<16xf32>
    %swap3A = arith.constant 0 : index
    %swap3A_21 = tpu.vector_load %arg9[%swap3A] {strides = array<i32>} : memref<48xf32, #tpu.memory_space<vmem>>, vector<16xf32>,
    tpu.vector_store %arg9[%swap3A], %select_n3A {strides = array<i32>} : memref<48xf32, #tpu.memory_space<vmem>>, vector<16xf32>,
    %add3A_22 = arith.constant 16 : i32
    %add3A_23 = arith.addi %min3A_3, %add3A_22 : i32
    %add3A_24 = vector.broadcast %add3A_23 : i32 to vector<16xi32>
    %add3A_25 = arith.addi %iota3A, %add3A_24 : vector<16xi32>
    %mul3A_26 = arith.constant 32 : i32
    %mul3A_27 = arith.muli %add3A, %mul3A_26 : i32
    %ge3A_28 = vector.broadcast %mul3A_27 : i32 to vector<16xi32>
    %ge3A_29 = arith.cmpi sge, %add3A_25, %ge3A_28 : vector<16xi32>
    %add3A_30 = arith.constant 32 : i32
    %add3A_31 = arith.addi %min3A_3, %add3A_30 : i32
    %lt3A_32 = vector.broadcast %add3A_31 : i32 to vector<16xi32>
    %lt3A_33 = arith.cmpi slt, %add3A_25, %lt3A_32 : vector<16xi32>
    %and3A_34 = arith.andi %ge3A_29, %lt3A_33 : vector<16xi1>
    %add3A_35 = arith.constant 1 : i32
    %add3A_36 = vector.broadcast %add3A_35 : i32 to vector<16xi32>
    %add3A_37 = arith.addi %add3A_25, %add3A_36 : vector<16xi32>
    %convert_element_type3A_38 = arith.sitofp %add3A_37 : vector<16xi32> to vector<16xf32>
    %div3A_39 = arith.constant 1.000000e+00 : f32
    %div3A_40 = vector.broadcast %div3A_39 : f32 to vector<16xf32>
    %div3A_41 = arith.divf %div3A_40, %convert_element_type3A_38 : vector<16xf32>
    %jit3A_42 = arith.constant 0.000000e+00 : f32
    %broadcast_in_dim3A_43 = vector.broadcast %jit3A_42 : f32 to vector<16xf32>
    %select_n3A_44 = arith.select %and3A_34, %div3A_41, %broadcast_in_dim3A_43 : vector<16xi1>, vector<16xf32>
    %swap3A_45 = arith.constant 16 : index
    %swap3A_46 = tpu.vector_load %arg9[%swap3A_45] {strides = array<i32>} : memref<48xf32, #tpu.memory_space<vmem>>, vector<16xf32>,
    tpu.vector_store %arg9[%swap3A_45], %select_n3A_44 {strides = array<i32>} : memref<48xf32, #tpu.memory_space<vmem>>, vector<16xf32>,
    %add3A_47 = arith.constant 32 : i32
    %add3A_48 = arith.addi %min3A_3, %add3A_47 : i32
    %add3A_49 = vector.broadcast %add3A_48 : i32 to vector<16xi32>
    %add3A_50 = arith.addi %iota3A, %add3A_49 : vector<16xi32>
    %mul3A_51 = arith.constant 32 : i32
    %mul3A_52 = arith.muli %add3A, %mul3A_51 : i32
    %ge3A_53 = vector.broadcast %mul3A_52 : i32 to vector<16xi32>
    %ge3A_54 = arith.cmpi sge, %add3A_50, %ge3A_53 : vector<16xi32>
    %add3A_55 = arith.constant 32 : i32
    %add3A_56 = arith.addi %min3A_3, %add3A_55 : i32
    %lt3A_57 = vector.broadcast %add3A_56 : i32 to vector<16xi32>
    %lt3A_58 = arith.cmpi slt, %add3A_50, %lt3A_57 : vector<16xi32>
    %and3A_59 = arith.andi %ge3A_54, %lt3A_58 : vector<16xi1>
    %add3A_60 = arith.constant 1 : i32
    %add3A_61 = vector.broadcast %add3A_60 : i32 to vector<16xi32>
    %add3A_62 = arith.addi %add3A_50, %add3A_61 : vector<16xi32>
    %convert_element_type3A_63 = arith.sitofp %add3A_62 : vector<16xi32> to vector<16xf32>
    %div3A_64 = arith.constant 1.000000e+00 : f32
    %div3A_65 = vector.broadcast %div3A_64 : f32 to vector<16xf32>
    %div3A_66 = arith.divf %div3A_65, %convert_element_type3A_63 : vector<16xf32>
    %jit3A_67 = arith.constant 0.000000e+00 : f32
    %broadcast_in_dim3A_68 = vector.broadcast %jit3A_67 : f32 to vector<16xf32>
    %select_n3A_69 = arith.select %and3A_59, %div3A_66, %broadcast_in_dim3A_68 : vector<16xi1>, vector<16xf32>
    %swap3A_70 = arith.constant 32 : index
    %swap3A_71 = tpu.vector_load %arg9[%swap3A_70] {strides = array<i32>} : memref<48xf32, #tpu.memory_space<vmem>>, vector<16xf32>,
    tpu.vector_store %arg9[%swap3A_70], %select_n3A_69 {strides = array<i32>} : memref<48xf32, #tpu.memory_space<vmem>>, vector<16xf32>,
    %dma_wait3A = arith.constant 0 : i32
    %dma_wait3A_72 = arith.constant 0 : i32
    %dma_wait3A_73 = tpu.memref_slice %arg2[%dma_wait3A, %dma_wait3A_72] : memref<1000x1024xf32, #tpu.memory_space<hbm>> -> memref<1000x1024xf32, #tpu.memory_space<hbm>>
    tpu.wait_indirect_dma semaphore(%arg12 : memref<!tpu.dma_semaphore, #tpu.memory_space<semaphore_mem>>) src(%dma_wait3A_73 : memref<1000x1024xf32, #tpu.memory_space<hbm>>) dst(%arg6 : memref<32x1024xf32, #tpu.memory_space<vmem>>)
    %broadcast_in_dim3A_74 = arith.constant 0.000000e+00 : f32
    %broadcast_in_dim3A_75 = vector.broadcast %broadcast_in_dim3A_74 : f32 to vector<16xf32>
    %parallel_loop3A = arith.constant 0 : i32
    %parallel_loop3A_76 = arith.constant 32 : i32
    %parallel_loop3A_77 = arith.constant 1 : i32
    %parallel_loop3A_78 = scf.for %parallel_loop3A_86 = %parallel_loop3A to %parallel_loop3A_76 step %parallel_loop3A_77 iter_args(%parallel_loop3A_87 = %broadcast_in_dim3A_75) -> (vector<16xf32>)  : i32 {
      %parallel_loop3A_88 = arith.index_cast %parallel_loop3A_86 : i32 to index
      %parallel_loop3A_89 = tpu.vector_load %arg9[%parallel_loop3A_88] {strides = array<i32>} : memref<48xf32, #tpu.memory_space<vmem>>, vector<16xf32>,
      %parallel_loop3A_90 = vector.extract_strided_slice %parallel_loop3A_89 {offsets = [0], sizes = [1], strides = [1]} : vector<16xf32> to vector<1xf32>
      %parallel_loop3A_91 = vector.extract %parallel_loop3A_90[0] : f32 from vector<1xf32>
      %parallel_loop3A_92 = arith.constant 0.000000e+00 : f32
      %parallel_loop3A_93 = vector.broadcast %parallel_loop3A_92 : f32 to vector<16xf32>
      %parallel_loop3A_94 = arith.index_cast %parallel_loop3A_86 : i32 to index
      %parallel_loop3A_95 = arith.constant 0 : index
      %parallel_loop3A_96 = tpu.vector_load %arg5[%parallel_loop3A_94, %parallel_loop3A_95] {strides = array<i32>} : memref<32x1024xf32, #tpu.memory_space<vmem>>, vector<16xf32>,
      %parallel_loop3A_97 = arith.index_cast %parallel_loop3A_86 : i32 to index
      %parallel_loop3A_98 = arith.constant 0 : index
      %parallel_loop3A_99 = tpu.vector_load %arg6[%parallel_loop3A_97, %parallel_loop3A_98] {strides = array<i32>} : memref<32x1024xf32, #tpu.memory_space<vmem>>, vector<16xf32>,
      %parallel_loop3A_100 = arith.mulf %parallel_loop3A_96, %parallel_loop3A_99 : vector<16xf32>
      %parallel_loop3A_101 = arith.addf %parallel_loop3A_93, %parallel_loop3A_100 : vector<16xf32>
      %parallel_loop3A_102 = arith.index_cast %parallel_loop3A_86 : i32 to index
      %parallel_loop3A_103 = arith.constant 16 : index
      %parallel_loop3A_104 = tpu.vector_load %arg5[%parallel_loop3A_102, %parallel_loop3A_103] {strides = array<i32>} : memref<32x1024xf32, #tpu.memory_space<vmem>>, vector<16xf32>,
      %parallel_loop3A_105 = arith.index_cast %parallel_loop3A_86 : i32 to index
      %parallel_loop3A_106 = arith.constant 16 : index
      %parallel_loop3A_107 = tpu.vector_load %arg6[%parallel_loop3A_105, %parallel_loop3A_106] {strides = array<i32>} : memref<32x1024xf32, #tpu.memory_space<vmem>>, vector<16xf32>,
      %parallel_loop3A_108 = arith.mulf %parallel_loop3A_104, %parallel_loop3A_107 : vector<16xf32>
      %parallel_loop3A_109 = arith.addf %parallel_loop3A_101, %parallel_loop3A_108 : vector<16xf32>
      %parallel_loop3A_110 = arith.index_cast %parallel_loop3A_86 : i32 to index
      %parallel_loop3A_111 = arith.constant 32 : index
      %parallel_loop3A_112 = tpu.vector_load %arg5[%parallel_loop3A_110, %parallel_loop3A_111] {strides = array<i32>} : memref<32x1024xf32, #tpu.memory_space<vmem>>, vector<16xf32>,
      %parallel_loop3A_113 = arith.index_cast %parallel_loop3A_86 : i32 to index
      %parallel_loop3A_114 = arith.constant 32 : index
      %parallel_loop3A_115 = tpu.vector_load %arg6[%parallel_loop3A_113, %parallel_loop3A_114] {strides = array<i32>} : memref<32x1024xf32, #tpu.memory_space<vmem>>, vector<16xf32>,
      %parallel_loop3A_116 = arith.mulf %parallel_loop3A_112, %parallel_loop3A_115 : vector<16xf32>
      %parallel_loop3A_117 = arith.addf %parallel_loop3A_109, %parallel_loop3A_116 : vector<16xf32>
      %parallel_loop3A_118 = arith.index_cast %parallel_loop3A_86 : i32 to index
      %parallel_loop3A_119 = arith.constant 48 : index
      %parallel_loop3A_120 = tpu.vector_load %arg5[%parallel_loop3A_118, %parallel_loop3A_119] {strides = array<i32>} : memref<32x1024xf32, #tpu.memory_space<vmem>>, vector<16xf32>,
      %parallel_loop3A_121 = arith.index_cast %parallel_loop3A_86 : i32 to index
      %parallel_loop3A_122 = arith.constant 48 : index
      %parallel_loop3A_123 = tpu.vector_load %arg6[%parallel_loop3A_121, %parallel_loop3A_122] {strides = array<i32>} : memref<32x1024xf32, #tpu.memory_space<vmem>>, vector<16xf32>,
      %parallel_loop3A_124 = arith.mulf %parallel_loop3A_120, %parallel_loop3A_123 : vector<16xf32>
      %parallel_loop3A_125 = arith.addf %parallel_loop3A_117, %parallel_loop3A_124 : vector<16xf32>
      %parallel_loop3A_126 = arith.index_cast %parallel_loop3A_86 : i32 to index
      %parallel_loop3A_127 = arith.constant 64 : index
      %parallel_loop3A_128 = tpu.vector_load %arg5[%parallel_loop3A_126, %parallel_loop3A_127] {strides = array<i32>} : memref<32x1024xf32, #tpu.memory_space<vmem>>, vector<16xf32>,
      %parallel_loop3A_129 = arith.index_cast %parallel_loop3A_86 : i32 to index
      %parallel_loop3A_130 = arith.constant 64 : index
      %parallel_loop3A_131 = tpu.vector_load %arg6[%parallel_loop3A_129, %parallel_loop3A_130] {strides = array<i32>} : memref<32x1024xf32, #tpu.memory_space<vmem>>, vector<16xf32>,
      %parallel_loop3A_132 = arith.mulf %parallel_loop3A_128, %parallel_loop3A_131 : vector<16xf32>
      %parallel_loop3A_133 = arith.addf %parallel_loop3A_125, %parallel_loop3A_132 : vector<16xf32>
      %parallel_loop3A_134 = arith.index_cast %parallel_loop3A_86 : i32 to index
      %parallel_loop3A_135 = arith.constant 80 : index
      %parallel_loop3A_136 = tpu.vector_load %arg5[%parallel_loop3A_134, %parallel_loop3A_135] {strides = array<i32>} : memref<32x1024xf32, #tpu.memory_space<vmem>>, vector<16xf32>,
      %parallel_loop3A_137 = arith.index_cast %parallel_loop3A_86 : i32 to index
      %parallel_loop3A_138 = arith.constant 80 : index
      %parallel_loop3A_139 = tpu.vector_load %arg6[%parallel_loop3A_137, %parallel_loop3A_138] {strides = array<i32>} : memref<32x1024xf32, #tpu.memory_space<vmem>>, vector<16xf32>,
      %parallel_loop3A_140 = arith.mulf %parallel_loop3A_136, %parallel_loop3A_139 : vector<16xf32>
      %parallel_loop3A_141 = arith.addf %parallel_loop3A_133, %parallel_loop3A_140 : vector<16xf32>
      %parallel_loop3A_142 = arith.index_cast %parallel_loop3A_86 : i32 to index
      %parallel_loop3A_143 = arith.constant 96 : index
      %parallel_loop3A_144 = tpu.vector_load %arg5[%parallel_loop3A_142, %parallel_loop3A_143] {strides = array<i32>} : memref<32x1024xf32, #tpu.memory_space<vmem>>, vector<16xf32>,
      %parallel_loop3A_145 = arith.index_cast %parallel_loop3A_86 : i32 to index
      %parallel_loop3A_146 = arith.constant 96 : index
      %parallel_loop3A_147 = tpu.vector_load %arg6[%parallel_loop3A_145, %parallel_loop3A_146] {strides = array<i32>} : memref<32x1024xf32, #tpu.memory_space<vmem>>, vector<16xf32>,
      %parallel_loop3A_148 = arith.mulf %parallel_loop3A_144, %parallel_loop3A_147 : vector<16xf32>
      %parallel_loop3A_149 = arith.addf %parallel_loop3A_141, %parallel_loop3A_148 : vector<16xf32>
      %parallel_loop3A_150 = arith.index_cast %parallel_loop3A_86 : i32 to index
      %parallel_loop3A_151 = arith.constant 112 : index
      %parallel_loop3A_152 = tpu.vector_load %arg5[%parallel_loop3A_150, %parallel_loop3A_151] {strides = array<i32>} : memref<32x1024xf32, #tpu.memory_space<vmem>>, vector<16xf32>,
      %parallel_loop3A_153 = arith.index_cast %parallel_loop3A_86 : i32 to index
      %parallel_loop3A_154 = arith.constant 112 : index
      %parallel_loop3A_155 = tpu.vector_load %arg6[%parallel_loop3A_153, %parallel_loop3A_154] {strides = array<i32>} : memref<32x1024xf32, #tpu.memory_space<vmem>>, vector<16xf32>,
      %parallel_loop3A_156 = arith.mulf %parallel_loop3A_152, %parallel_loop3A_155 : vector<16xf32>
      %parallel_loop3A_157 = arith.addf %parallel_loop3A_149, %parallel_loop3A_156 : vector<16xf32>
      %parallel_loop3A_158 = arith.index_cast %parallel_loop3A_86 : i32 to index
      %parallel_loop3A_159 = arith.constant 128 : index
      %parallel_loop3A_160 = tpu.vector_load %arg5[%parallel_loop3A_158, %parallel_loop3A_159] {strides = array<i32>} : memref<32x1024xf32, #tpu.memory_space<vmem>>, vector<16xf32>,
      %parallel_loop3A_161 = arith.index_cast %parallel_loop3A_86 : i32 to index
      %parallel_loop3A_162 = arith.constant 128 : index
      %parallel_loop3A_163 = tpu.vector_load %arg6[%parallel_loop3A_161, %parallel_loop3A_162] {strides = array<i32>} : memref<32x1024xf32, #tpu.memory_space<vmem>>, vector<16xf32>,
      %parallel_loop3A_164 = arith.mulf %parallel_loop3A_160, %parallel_loop3A_163 : vector<16xf32>
      %parallel_loop3A_165 = arith.addf %parallel_loop3A_157, %parallel_loop3A_164 : vector<16xf32>
      %parallel_loop3A_166 = arith.index_cast %parallel_loop3A_86 : i32 to index
      %parallel_loop3A_167 = arith.constant 144 : index
      %parallel_loop3A_168 = tpu.vector_load %arg5[%parallel_loop3A_166, %parallel_loop3A_167] {strides = array<i32>} : memref<32x1024xf32, #tpu.memory_space<vmem>>, vector<16xf32>,
      %parallel_loop3A_169 = arith.index_cast %parallel_loop3A_86 : i32 to index
      %parallel_loop3A_170 = arith.constant 144 : index
      %parallel_loop3A_171 = tpu.vector_load %arg6[%parallel_loop3A_169, %parallel_loop3A_170] {strides = array<i32>} : memref<32x1024xf32, #tpu.memory_space<vmem>>, vector<16xf32>,
      %parallel_loop3A_172 = arith.mulf %parallel_loop3A_168, %parallel_loop3A_171 : vector<16xf32>
      %parallel_loop3A_173 = arith.addf %parallel_loop3A_165, %parallel_loop3A_172 : vector<16xf32>
      %parallel_loop3A_174 = arith.index_cast %parallel_loop3A_86 : i32 to index
      %parallel_loop3A_175 = arith.constant 160 : index
      %parallel_loop3A_176 = tpu.vector_load %arg5[%parallel_loop3A_174, %parallel_loop3A_175] {strides = array<i32>} : memref<32x1024xf32, #tpu.memory_space<vmem>>, vector<16xf32>,
      %parallel_loop3A_177 = arith.index_cast %parallel_loop3A_86 : i32 to index
      %parallel_loop3A_178 = arith.constant 160 : index
      %parallel_loop3A_179 = tpu.vector_load %arg6[%parallel_loop3A_177, %parallel_loop3A_178] {strides = array<i32>} : memref<32x1024xf32, #tpu.memory_space<vmem>>, vector<16xf32>,
      %parallel_loop3A_180 = arith.mulf %parallel_loop3A_176, %parallel_loop3A_179 : vector<16xf32>
      %parallel_loop3A_181 = arith.addf %parallel_loop3A_173, %parallel_loop3A_180 : vector<16xf32>
      %parallel_loop3A_182 = arith.index_cast %parallel_loop3A_86 : i32 to index
      %parallel_loop3A_183 = arith.constant 176 : index
      %parallel_loop3A_184 = tpu.vector_load %arg5[%parallel_loop3A_182, %parallel_loop3A_183] {strides = array<i32>} : memref<32x1024xf32, #tpu.memory_space<vmem>>, vector<16xf32>,
      %parallel_loop3A_185 = arith.index_cast %parallel_loop3A_86 : i32 to index
      %parallel_loop3A_186 = arith.constant 176 : index
      %parallel_loop3A_187 = tpu.vector_load %arg6[%parallel_loop3A_185, %parallel_loop3A_186] {strides = array<i32>} : memref<32x1024xf32, #tpu.memory_space<vmem>>, vector<16xf32>,
      %parallel_loop3A_188 = arith.mulf %parallel_loop3A_184, %parallel_loop3A_187 : vector<16xf32>
      %parallel_loop3A_189 = arith.addf %parallel_loop3A_181, %parallel_loop3A_188 : vector<16xf32>
      %parallel_loop3A_190 = arith.index_cast %parallel_loop3A_86 : i32 to index
      %parallel_loop3A_191 = arith.constant 192 : index
      %parallel_loop3A_192 = tpu.vector_load %arg5[%parallel_loop3A_190, %parallel_loop3A_191] {strides = array<i32>} : memref<32x1024xf32, #tpu.memory_space<vmem>>, vector<16xf32>,
      %parallel_loop3A_193 = arith.index_cast %parallel_loop3A_86 : i32 to index
      %parallel_loop3A_194 = arith.constant 192 : index
      %parallel_loop3A_195 = tpu.vector_load %arg6[%parallel_loop3A_193, %parallel_loop3A_194] {strides = array<i32>} : memref<32x1024xf32, #tpu.memory_space<vmem>>, vector<16xf32>,
      %parallel_loop3A_196 = arith.mulf %parallel_loop3A_192, %parallel_loop3A_195 : vector<16xf32>
      %parallel_loop3A_197 = arith.addf %parallel_loop3A_189, %parallel_loop3A_196 : vector<16xf32>
      %parallel_loop3A_198 = arith.index_cast %parallel_loop3A_86 : i32 to index
      %parallel_loop3A_199 = arith.constant 208 : index
      %parallel_loop3A_200 = tpu.vector_load %arg5[%parallel_loop3A_198, %parallel_loop3A_199] {strides = array<i32>} : memref<32x1024xf32, #tpu.memory_space<vmem>>, vector<16xf32>,
      %parallel_loop3A_201 = arith.index_cast %parallel_loop3A_86 : i32 to index
      %parallel_loop3A_202 = arith.constant 208 : index
      %parallel_loop3A_203 = tpu.vector_load %arg6[%parallel_loop3A_201, %parallel_loop3A_202] {strides = array<i32>} : memref<32x1024xf32, #tpu.memory_space<vmem>>, vector<16xf32>,
      %parallel_loop3A_204 = arith.mulf %parallel_loop3A_200, %parallel_loop3A_203 : vector<16xf32>
      %parallel_loop3A_205 = arith.addf %parallel_loop3A_197, %parallel_loop3A_204 : vector<16xf32>
      %parallel_loop3A_206 = arith.index_cast %parallel_loop3A_86 : i32 to index
      %parallel_loop3A_207 = arith.constant 224 : index
      %parallel_loop3A_208 = tpu.vector_load %arg5[%parallel_loop3A_206, %parallel_loop3A_207] {strides = array<i32>} : memref<32x1024xf32, #tpu.memory_space<vmem>>, vector<16xf32>,
      %parallel_loop3A_209 = arith.index_cast %parallel_loop3A_86 : i32 to index
      %parallel_loop3A_210 = arith.constant 224 : index
      %parallel_loop3A_211 = tpu.vector_load %arg6[%parallel_loop3A_209, %parallel_loop3A_210] {strides = array<i32>} : memref<32x1024xf32, #tpu.memory_space<vmem>>, vector<16xf32>,
      %parallel_loop3A_212 = arith.mulf %parallel_loop3A_208, %parallel_loop3A_211 : vector<16xf32>
      %parallel_loop3A_213 = arith.addf %parallel_loop3A_205, %parallel_loop3A_212 : vector<16xf32>
      %parallel_loop3A_214 = arith.index_cast %parallel_loop3A_86 : i32 to index
      %parallel_loop3A_215 = arith.constant 240 : index
      %parallel_loop3A_216 = tpu.vector_load %arg5[%parallel_loop3A_214, %parallel_loop3A_215] {strides = array<i32>} : memref<32x1024xf32, #tpu.memory_space<vmem>>, vector<16xf32>,
      %parallel_loop3A_217 = arith.index_cast %parallel_loop3A_86 : i32 to index
      %parallel_loop3A_218 = arith.constant 240 : index
      %parallel_loop3A_219 = tpu.vector_load %arg6[%parallel_loop3A_217, %parallel_loop3A_218] {strides = array<i32>} : memref<32x1024xf32, #tpu.memory_space<vmem>>, vector<16xf32>,
      %parallel_loop3A_220 = arith.mulf %parallel_loop3A_216, %parallel_loop3A_219 : vector<16xf32>
      %parallel_loop3A_221 = arith.addf %parallel_loop3A_213, %parallel_loop3A_220 : vector<16xf32>
      %parallel_loop3A_222 = arith.index_cast %parallel_loop3A_86 : i32 to index
      %parallel_loop3A_223 = arith.constant 256 : index
      %parallel_loop3A_224 = tpu.vector_load %arg5[%parallel_loop3A_222, %parallel_loop3A_223] {strides = array<i32>} : memref<32x1024xf32, #tpu.memory_space<vmem>>, vector<16xf32>,
      %parallel_loop3A_225 = arith.index_cast %parallel_loop3A_86 : i32 to index
      %parallel_loop3A_226 = arith.constant 256 : index
      %parallel_loop3A_227 = tpu.vector_load %arg6[%parallel_loop3A_225, %parallel_loop3A_226] {strides = array<i32>} : memref<32x1024xf32, #tpu.memory_space<vmem>>, vector<16xf32>,
      %parallel_loop3A_228 = arith.mulf %parallel_loop3A_224, %parallel_loop3A_227 : vector<16xf32>
      %parallel_loop3A_229 = arith.addf %parallel_loop3A_221, %parallel_loop3A_228 : vector<16xf32>
      %parallel_loop3A_230 = arith.index_cast %parallel_loop3A_86 : i32 to index
      %parallel_loop3A_231 = arith.constant 272 : index
      %parallel_loop3A_232 = tpu.vector_load %arg5[%parallel_loop3A_230, %parallel_loop3A_231] {strides = array<i32>} : memref<32x1024xf32, #tpu.memory_space<vmem>>, vector<16xf32>,
      %parallel_loop3A_233 = arith.index_cast %parallel_loop3A_86 : i32 to index
      %parallel_loop3A_234 = arith.constant 272 : index
      %parallel_loop3A_235 = tpu.vector_load %arg6[%parallel_loop3A_233, %parallel_loop3A_234] {strides = array<i32>} : memref<32x1024xf32, #tpu.memory_space<vmem>>, vector<16xf32>,
      %parallel_loop3A_236 = arith.mulf %parallel_loop3A_232, %parallel_loop3A_235 : vector<16xf32>
      %parallel_loop3A_237 = arith.addf %parallel_loop3A_229, %parallel_loop3A_236 : vector<16xf32>
      %parallel_loop3A_238 = arith.index_cast %parallel_loop3A_86 : i32 to index
      %parallel_loop3A_239 = arith.constant 288 : index
      %parallel_loop3A_240 = tpu.vector_load %arg5[%parallel_loop3A_238, %parallel_loop3A_239] {strides = array<i32>} : memref<32x1024xf32, #tpu.memory_space<vmem>>, vector<16xf32>,
      %parallel_loop3A_241 = arith.index_cast %parallel_loop3A_86 : i32 to index
      %parallel_loop3A_242 = arith.constant 288 : index
      %parallel_loop3A_243 = tpu.vector_load %arg6[%parallel_loop3A_241, %parallel_loop3A_242] {strides = array<i32>} : memref<32x1024xf32, #tpu.memory_space<vmem>>, vector<16xf32>,
      %parallel_loop3A_244 = arith.mulf %parallel_loop3A_240, %parallel_loop3A_243 : vector<16xf32>
      %parallel_loop3A_245 = arith.addf %parallel_loop3A_237, %parallel_loop3A_244 : vector<16xf32>
      %parallel_loop3A_246 = arith.index_cast %parallel_loop3A_86 : i32 to index
      %parallel_loop3A_247 = arith.constant 304 : index
      %parallel_loop3A_248 = tpu.vector_load %arg5[%parallel_loop3A_246, %parallel_loop3A_247] {strides = array<i32>} : memref<32x1024xf32, #tpu.memory_space<vmem>>, vector<16xf32>,
      %parallel_loop3A_249 = arith.index_cast %parallel_loop3A_86 : i32 to index
      %parallel_loop3A_250 = arith.constant 304 : index
      %parallel_loop3A_251 = tpu.vector_load %arg6[%parallel_loop3A_249, %parallel_loop3A_250] {strides = array<i32>} : memref<32x1024xf32, #tpu.memory_space<vmem>>, vector<16xf32>,
      %parallel_loop3A_252 = arith.mulf %parallel_loop3A_248, %parallel_loop3A_251 : vector<16xf32>
      %parallel_loop3A_253 = arith.addf %parallel_loop3A_245, %parallel_loop3A_252 : vector<16xf32>
      %parallel_loop3A_254 = arith.index_cast %parallel_loop3A_86 : i32 to index
      %parallel_loop3A_255 = arith.constant 320 : index
      %parallel_loop3A_256 = tpu.vector_load %arg5[%parallel_loop3A_254, %parallel_loop3A_255] {strides = array<i32>} : memref<32x1024xf32, #tpu.memory_space<vmem>>, vector<16xf32>,
      %parallel_loop3A_257 = arith.index_cast %parallel_loop3A_86 : i32 to index
      %parallel_loop3A_258 = arith.constant 320 : index
      %parallel_loop3A_259 = tpu.vector_load %arg6[%parallel_loop3A_257, %parallel_loop3A_258] {strides = array<i32>} : memref<32x1024xf32, #tpu.memory_space<vmem>>, vector<16xf32>,
      %parallel_loop3A_260 = arith.mulf %parallel_loop3A_256, %parallel_loop3A_259 : vector<16xf32>
      %parallel_loop3A_261 = arith.addf %parallel_loop3A_253, %parallel_loop3A_260 : vector<16xf32>
      %parallel_loop3A_262 = arith.index_cast %parallel_loop3A_86 : i32 to index
      %parallel_loop3A_263 = arith.constant 336 : index
      %parallel_loop3A_264 = tpu.vector_load %arg5[%parallel_loop3A_262, %parallel_loop3A_263] {strides = array<i32>} : memref<32x1024xf32, #tpu.memory_space<vmem>>, vector<16xf32>,
      %parallel_loop3A_265 = arith.index_cast %parallel_loop3A_86 : i32 to index
      %parallel_loop3A_266 = arith.constant 336 : index
      %parallel_loop3A_267 = tpu.vector_load %arg6[%parallel_loop3A_265, %parallel_loop3A_266] {strides = array<i32>} : memref<32x1024xf32, #tpu.memory_space<vmem>>, vector<16xf32>,
      %parallel_loop3A_268 = arith.mulf %parallel_loop3A_264, %parallel_loop3A_267 : vector<16xf32>
      %parallel_loop3A_269 = arith.addf %parallel_loop3A_261, %parallel_loop3A_268 : vector<16xf32>
      %parallel_loop3A_270 = arith.index_cast %parallel_loop3A_86 : i32 to index
      %parallel_loop3A_271 = arith.constant 352 : index
      %parallel_loop3A_272 = tpu.vector_load %arg5[%parallel_loop3A_270, %parallel_loop3A_271] {strides = array<i32>} : memref<32x1024xf32, #tpu.memory_space<vmem>>, vector<16xf32>,
      %parallel_loop3A_273 = arith.index_cast %parallel_loop3A_86 : i32 to index
      %parallel_loop3A_274 = arith.constant 352 : index
      %parallel_loop3A_275 = tpu.vector_load %arg6[%parallel_loop3A_273, %parallel_loop3A_274] {strides = array<i32>} : memref<32x1024xf32, #tpu.memory_space<vmem>>, vector<16xf32>,
      %parallel_loop3A_276 = arith.mulf %parallel_loop3A_272, %parallel_loop3A_275 : vector<16xf32>
      %parallel_loop3A_277 = arith.addf %parallel_loop3A_269, %parallel_loop3A_276 : vector<16xf32>
      %parallel_loop3A_278 = arith.index_cast %parallel_loop3A_86 : i32 to index
      %parallel_loop3A_279 = arith.constant 368 : index
      %parallel_loop3A_280 = tpu.vector_load %arg5[%parallel_loop3A_278, %parallel_loop3A_279] {strides = array<i32>} : memref<32x1024xf32, #tpu.memory_space<vmem>>, vector<16xf32>,
      %parallel_loop3A_281 = arith.index_cast %parallel_loop3A_86 : i32 to index
      %parallel_loop3A_282 = arith.constant 368 : index
      %parallel_loop3A_283 = tpu.vector_load %arg6[%parallel_loop3A_281, %parallel_loop3A_282] {strides = array<i32>} : memref<32x1024xf32, #tpu.memory_space<vmem>>, vector<16xf32>,
      %parallel_loop3A_284 = arith.mulf %parallel_loop3A_280, %parallel_loop3A_283 : vector<16xf32>
      %parallel_loop3A_285 = arith.addf %parallel_loop3A_277, %parallel_loop3A_284 : vector<16xf32>
      %parallel_loop3A_286 = arith.index_cast %parallel_loop3A_86 : i32 to index
      %parallel_loop3A_287 = arith.constant 384 : index
      %parallel_loop3A_288 = tpu.vector_load %arg5[%parallel_loop3A_286, %parallel_loop3A_287] {strides = array<i32>} : memref<32x1024xf32, #tpu.memory_space<vmem>>, vector<16xf32>,
      %parallel_loop3A_289 = arith.index_cast %parallel_loop3A_86 : i32 to index
      %parallel_loop3A_290 = arith.constant 384 : index
      %parallel_loop3A_291 = tpu.vector_load %arg6[%parallel_loop3A_289, %parallel_loop3A_290] {strides = array<i32>} : memref<32x1024xf32, #tpu.memory_space<vmem>>, vector<16xf32>,
      %parallel_loop3A_292 = arith.mulf %parallel_loop3A_288, %parallel_loop3A_291 : vector<16xf32>
      %parallel_loop3A_293 = arith.addf %parallel_loop3A_285, %parallel_loop3A_292 : vector<16xf32>
      %parallel_loop3A_294 = arith.index_cast %parallel_loop3A_86 : i32 to index
      %parallel_loop3A_295 = arith.constant 400 : index
      %parallel_loop3A_296 = tpu.vector_load %arg5[%parallel_loop3A_294, %parallel_loop3A_295] {strides = array<i32>} : memref<32x1024xf32, #tpu.memory_space<vmem>>, vector<16xf32>,
      %parallel_loop3A_297 = arith.index_cast %parallel_loop3A_86 : i32 to index
      %parallel_loop3A_298 = arith.constant 400 : index
      %parallel_loop3A_299 = tpu.vector_load %arg6[%parallel_loop3A_297, %parallel_loop3A_298] {strides = array<i32>} : memref<32x1024xf32, #tpu.memory_space<vmem>>, vector<16xf32>,
      %parallel_loop3A_300 = arith.mulf %parallel_loop3A_296, %parallel_loop3A_299 : vector<16xf32>
      %parallel_loop3A_301 = arith.addf %parallel_loop3A_293, %parallel_loop3A_300 : vector<16xf32>
      %parallel_loop3A_302 = arith.index_cast %parallel_loop3A_86 : i32 to index
      %parallel_loop3A_303 = arith.constant 416 : index
      %parallel_loop3A_304 = tpu.vector_load %arg5[%parallel_loop3A_302, %parallel_loop3A_303] {strides = array<i32>} : memref<32x1024xf32, #tpu.memory_space<vmem>>, vector<16xf32>,
      %parallel_loop3A_305 = arith.index_cast %parallel_loop3A_86 : i32 to index
      %parallel_loop3A_306 = arith.constant 416 : index
      %parallel_loop3A_307 = tpu.vector_load %arg6[%parallel_loop3A_305, %parallel_loop3A_306] {strides = array<i32>} : memref<32x1024xf32, #tpu.memory_space<vmem>>, vector<16xf32>,
      %parallel_loop3A_308 = arith.mulf %parallel_loop3A_304, %parallel_loop3A_307 : vector<16xf32>
      %parallel_loop3A_309 = arith.addf %parallel_loop3A_301, %parallel_loop3A_308 : vector<16xf32>
      %parallel_loop3A_310 = arith.index_cast %parallel_loop3A_86 : i32 to index
      %parallel_loop3A_311 = arith.constant 432 : index
      %parallel_loop3A_312 = tpu.vector_load %arg5[%parallel_loop3A_310, %parallel_loop3A_311] {strides = array<i32>} : memref<32x1024xf32, #tpu.memory_space<vmem>>, vector<16xf32>,
      %parallel_loop3A_313 = arith.index_cast %parallel_loop3A_86 : i32 to index
      %parallel_loop3A_314 = arith.constant 432 : index
      %parallel_loop3A_315 = tpu.vector_load %arg6[%parallel_loop3A_313, %parallel_loop3A_314] {strides = array<i32>} : memref<32x1024xf32, #tpu.memory_space<vmem>>, vector<16xf32>,
      %parallel_loop3A_316 = arith.mulf %parallel_loop3A_312, %parallel_loop3A_315 : vector<16xf32>
      %parallel_loop3A_317 = arith.addf %parallel_loop3A_309, %parallel_loop3A_316 : vector<16xf32>
      %parallel_loop3A_318 = arith.index_cast %parallel_loop3A_86 : i32 to index
      %parallel_loop3A_319 = arith.constant 448 : index
      %parallel_loop3A_320 = tpu.vector_load %arg5[%parallel_loop3A_318, %parallel_loop3A_319] {strides = array<i32>} : memref<32x1024xf32, #tpu.memory_space<vmem>>, vector<16xf32>,
      %parallel_loop3A_321 = arith.index_cast %parallel_loop3A_86 : i32 to index
      %parallel_loop3A_322 = arith.constant 448 : index
      %parallel_loop3A_323 = tpu.vector_load %arg6[%parallel_loop3A_321, %parallel_loop3A_322] {strides = array<i32>} : memref<32x1024xf32, #tpu.memory_space<vmem>>, vector<16xf32>,
      %parallel_loop3A_324 = arith.mulf %parallel_loop3A_320, %parallel_loop3A_323 : vector<16xf32>
      %parallel_loop3A_325 = arith.addf %parallel_loop3A_317, %parallel_loop3A_324 : vector<16xf32>
      %parallel_loop3A_326 = arith.index_cast %parallel_loop3A_86 : i32 to index
      %parallel_loop3A_327 = arith.constant 464 : index
      %parallel_loop3A_328 = tpu.vector_load %arg5[%parallel_loop3A_326, %parallel_loop3A_327] {strides = array<i32>} : memref<32x1024xf32, #tpu.memory_space<vmem>>, vector<16xf32>,
      %parallel_loop3A_329 = arith.index_cast %parallel_loop3A_86 : i32 to index
      %parallel_loop3A_330 = arith.constant 464 : index
      %parallel_loop3A_331 = tpu.vector_load %arg6[%parallel_loop3A_329, %parallel_loop3A_330] {strides = array<i32>} : memref<32x1024xf32, #tpu.memory_space<vmem>>, vector<16xf32>,
      %parallel_loop3A_332 = arith.mulf %parallel_loop3A_328, %parallel_loop3A_331 : vector<16xf32>
      %parallel_loop3A_333 = arith.addf %parallel_loop3A_325, %parallel_loop3A_332 : vector<16xf32>
      %parallel_loop3A_334 = arith.index_cast %parallel_loop3A_86 : i32 to index
      %parallel_loop3A_335 = arith.constant 480 : index
      %parallel_loop3A_336 = tpu.vector_load %arg5[%parallel_loop3A_334, %parallel_loop3A_335] {strides = array<i32>} : memref<32x1024xf32, #tpu.memory_space<vmem>>, vector<16xf32>,
      %parallel_loop3A_337 = arith.index_cast %parallel_loop3A_86 : i32 to index
      %parallel_loop3A_338 = arith.constant 480 : index
      %parallel_loop3A_339 = tpu.vector_load %arg6[%parallel_loop3A_337, %parallel_loop3A_338] {strides = array<i32>} : memref<32x1024xf32, #tpu.memory_space<vmem>>, vector<16xf32>,
      %parallel_loop3A_340 = arith.mulf %parallel_loop3A_336, %parallel_loop3A_339 : vector<16xf32>
      %parallel_loop3A_341 = arith.addf %parallel_loop3A_333, %parallel_loop3A_340 : vector<16xf32>
      %parallel_loop3A_342 = arith.index_cast %parallel_loop3A_86 : i32 to index
      %parallel_loop3A_343 = arith.constant 496 : index
      %parallel_loop3A_344 = tpu.vector_load %arg5[%parallel_loop3A_342, %parallel_loop3A_343] {strides = array<i32>} : memref<32x1024xf32, #tpu.memory_space<vmem>>, vector<16xf32>,
      %parallel_loop3A_345 = arith.index_cast %parallel_loop3A_86 : i32 to index
      %parallel_loop3A_346 = arith.constant 496 : index
      %parallel_loop3A_347 = tpu.vector_load %arg6[%parallel_loop3A_345, %parallel_loop3A_346] {strides = array<i32>} : memref<32x1024xf32, #tpu.memory_space<vmem>>, vector<16xf32>,
      %parallel_loop3A_348 = arith.mulf %parallel_loop3A_344, %parallel_loop3A_347 : vector<16xf32>
      %parallel_loop3A_349 = arith.addf %parallel_loop3A_341, %parallel_loop3A_348 : vector<16xf32>
      %parallel_loop3A_350 = arith.index_cast %parallel_loop3A_86 : i32 to index
      %parallel_loop3A_351 = arith.constant 512 : index
      %parallel_loop3A_352 = tpu.vector_load %arg5[%parallel_loop3A_350, %parallel_loop3A_351] {strides = array<i32>} : memref<32x1024xf32, #tpu.memory_space<vmem>>, vector<16xf32>,
      %parallel_loop3A_353 = arith.index_cast %parallel_loop3A_86 : i32 to index
      %parallel_loop3A_354 = arith.constant 512 : index
      %parallel_loop3A_355 = tpu.vector_load %arg6[%parallel_loop3A_353, %parallel_loop3A_354] {strides = array<i32>} : memref<32x1024xf32, #tpu.memory_space<vmem>>, vector<16xf32>,
      %parallel_loop3A_356 = arith.mulf %parallel_loop3A_352, %parallel_loop3A_355 : vector<16xf32>
      %parallel_loop3A_357 = arith.addf %parallel_loop3A_349, %parallel_loop3A_356 : vector<16xf32>
      %parallel_loop3A_358 = arith.index_cast %parallel_loop3A_86 : i32 to index
      %parallel_loop3A_359 = arith.constant 528 : index
      %parallel_loop3A_360 = tpu.vector_load %arg5[%parallel_loop3A_358, %parallel_loop3A_359] {strides = array<i32>} : memref<32x1024xf32, #tpu.memory_space<vmem>>, vector<16xf32>,
      %parallel_loop3A_361 = arith.index_cast %parallel_loop3A_86 : i32 to index
      %parallel_loop3A_362 = arith.constant 528 : index
      %parallel_loop3A_363 = tpu.vector_load %arg6[%parallel_loop3A_361, %parallel_loop3A_362] {strides = array<i32>} : memref<32x1024xf32, #tpu.memory_space<vmem>>, vector<16xf32>,
      %parallel_loop3A_364 = arith.mulf %parallel_loop3A_360, %parallel_loop3A_363 : vector<16xf32>
      %parallel_loop3A_365 = arith.addf %parallel_loop3A_357, %parallel_loop3A_364 : vector<16xf32>
      %parallel_loop3A_366 = arith.index_cast %parallel_loop3A_86 : i32 to index
      %parallel_loop3A_367 = arith.constant 544 : index
      %parallel_loop3A_368 = tpu.vector_load %arg5[%parallel_loop3A_366, %parallel_loop3A_367] {strides = array<i32>} : memref<32x1024xf32, #tpu.memory_space<vmem>>, vector<16xf32>,
      %parallel_loop3A_369 = arith.index_cast %parallel_loop3A_86 : i32 to index
      %parallel_loop3A_370 = arith.constant 544 : index
      %parallel_loop3A_371 = tpu.vector_load %arg6[%parallel_loop3A_369, %parallel_loop3A_370] {strides = array<i32>} : memref<32x1024xf32, #tpu.memory_space<vmem>>, vector<16xf32>,
      %parallel_loop3A_372 = arith.mulf %parallel_loop3A_368, %parallel_loop3A_371 : vector<16xf32>
      %parallel_loop3A_373 = arith.addf %parallel_loop3A_365, %parallel_loop3A_372 : vector<16xf32>
      %parallel_loop3A_374 = arith.index_cast %parallel_loop3A_86 : i32 to index
      %parallel_loop3A_375 = arith.constant 560 : index
      %parallel_loop3A_376 = tpu.vector_load %arg5[%parallel_loop3A_374, %parallel_loop3A_375] {strides = array<i32>} : memref<32x1024xf32, #tpu.memory_space<vmem>>, vector<16xf32>,
      %parallel_loop3A_377 = arith.index_cast %parallel_loop3A_86 : i32 to index
      %parallel_loop3A_378 = arith.constant 560 : index
      %parallel_loop3A_379 = tpu.vector_load %arg6[%parallel_loop3A_377, %parallel_loop3A_378] {strides = array<i32>} : memref<32x1024xf32, #tpu.memory_space<vmem>>, vector<16xf32>,
      %parallel_loop3A_380 = arith.mulf %parallel_loop3A_376, %parallel_loop3A_379 : vector<16xf32>
      %parallel_loop3A_381 = arith.addf %parallel_loop3A_373, %parallel_loop3A_380 : vector<16xf32>
      %parallel_loop3A_382 = arith.index_cast %parallel_loop3A_86 : i32 to index
      %parallel_loop3A_383 = arith.constant 576 : index
      %parallel_loop3A_384 = tpu.vector_load %arg5[%parallel_loop3A_382, %parallel_loop3A_383] {strides = array<i32>} : memref<32x1024xf32, #tpu.memory_space<vmem>>, vector<16xf32>,
      %parallel_loop3A_385 = arith.index_cast %parallel_loop3A_86 : i32 to index
      %parallel_loop3A_386 = arith.constant 576 : index
      %parallel_loop3A_387 = tpu.vector_load %arg6[%parallel_loop3A_385, %parallel_loop3A_386] {strides = array<i32>} : memref<32x1024xf32, #tpu.memory_space<vmem>>, vector<16xf32>,
      %parallel_loop3A_388 = arith.mulf %parallel_loop3A_384, %parallel_loop3A_387 : vector<16xf32>
      %parallel_loop3A_389 = arith.addf %parallel_loop3A_381, %parallel_loop3A_388 : vector<16xf32>
      %parallel_loop3A_390 = arith.index_cast %parallel_loop3A_86 : i32 to index
      %parallel_loop3A_391 = arith.constant 592 : index
      %parallel_loop3A_392 = tpu.vector_load %arg5[%parallel_loop3A_390, %parallel_loop3A_391] {strides = array<i32>} : memref<32x1024xf32, #tpu.memory_space<vmem>>, vector<16xf32>,
      %parallel_loop3A_393 = arith.index_cast %parallel_loop3A_86 : i32 to index
      %parallel_loop3A_394 = arith.constant 592 : index
      %parallel_loop3A_395 = tpu.vector_load %arg6[%parallel_loop3A_393, %parallel_loop3A_394] {strides = array<i32>} : memref<32x1024xf32, #tpu.memory_space<vmem>>, vector<16xf32>,
      %parallel_loop3A_396 = arith.mulf %parallel_loop3A_392, %parallel_loop3A_395 : vector<16xf32>
      %parallel_loop3A_397 = arith.addf %parallel_loop3A_389, %parallel_loop3A_396 : vector<16xf32>
      %parallel_loop3A_398 = arith.index_cast %parallel_loop3A_86 : i32 to index
      %parallel_loop3A_399 = arith.constant 608 : index
      %parallel_loop3A_400 = tpu.vector_load %arg5[%parallel_loop3A_398, %parallel_loop3A_399] {strides = array<i32>} : memref<32x1024xf32, #tpu.memory_space<vmem>>, vector<16xf32>,
      %parallel_loop3A_401 = arith.index_cast %parallel_loop3A_86 : i32 to index
      %parallel_loop3A_402 = arith.constant 608 : index
      %parallel_loop3A_403 = tpu.vector_load %arg6[%parallel_loop3A_401, %parallel_loop3A_402] {strides = array<i32>} : memref<32x1024xf32, #tpu.memory_space<vmem>>, vector<16xf32>,
      %parallel_loop3A_404 = arith.mulf %parallel_loop3A_400, %parallel_loop3A_403 : vector<16xf32>
      %parallel_loop3A_405 = arith.addf %parallel_loop3A_397, %parallel_loop3A_404 : vector<16xf32>
      %parallel_loop3A_406 = arith.index_cast %parallel_loop3A_86 : i32 to index
      %parallel_loop3A_407 = arith.constant 624 : index
      %parallel_loop3A_408 = tpu.vector_load %arg5[%parallel_loop3A_406, %parallel_loop3A_407] {strides = array<i32>} : memref<32x1024xf32, #tpu.memory_space<vmem>>, vector<16xf32>,
      %parallel_loop3A_409 = arith.index_cast %parallel_loop3A_86 : i32 to index
      %parallel_loop3A_410 = arith.constant 624 : index
      %parallel_loop3A_411 = tpu.vector_load %arg6[%parallel_loop3A_409, %parallel_loop3A_410] {strides = array<i32>} : memref<32x1024xf32, #tpu.memory_space<vmem>>, vector<16xf32>,
      %parallel_loop3A_412 = arith.mulf %parallel_loop3A_408, %parallel_loop3A_411 : vector<16xf32>
      %parallel_loop3A_413 = arith.addf %parallel_loop3A_405, %parallel_loop3A_412 : vector<16xf32>
      %parallel_loop3A_414 = arith.index_cast %parallel_loop3A_86 : i32 to index
      %parallel_loop3A_415 = arith.constant 640 : index
      %parallel_loop3A_416 = tpu.vector_load %arg5[%parallel_loop3A_414, %parallel_loop3A_415] {strides = array<i32>} : memref<32x1024xf32, #tpu.memory_space<vmem>>, vector<16xf32>,
      %parallel_loop3A_417 = arith.index_cast %parallel_loop3A_86 : i32 to index
      %parallel_loop3A_418 = arith.constant 640 : index
      %parallel_loop3A_419 = tpu.vector_load %arg6[%parallel_loop3A_417, %parallel_loop3A_418] {strides = array<i32>} : memref<32x1024xf32, #tpu.memory_space<vmem>>, vector<16xf32>,
      %parallel_loop3A_420 = arith.mulf %parallel_loop3A_416, %parallel_loop3A_419 : vector<16xf32>
      %parallel_loop3A_421 = arith.addf %parallel_loop3A_413, %parallel_loop3A_420 : vector<16xf32>
      %parallel_loop3A_422 = arith.index_cast %parallel_loop3A_86 : i32 to index
      %parallel_loop3A_423 = arith.constant 656 : index
      %parallel_loop3A_424 = tpu.vector_load %arg5[%parallel_loop3A_422, %parallel_loop3A_423] {strides = array<i32>} : memref<32x1024xf32, #tpu.memory_space<vmem>>, vector<16xf32>,
      %parallel_loop3A_425 = arith.index_cast %parallel_loop3A_86 : i32 to index
      %parallel_loop3A_426 = arith.constant 656 : index
      %parallel_loop3A_427 = tpu.vector_load %arg6[%parallel_loop3A_425, %parallel_loop3A_426] {strides = array<i32>} : memref<32x1024xf32, #tpu.memory_space<vmem>>, vector<16xf32>,
      %parallel_loop3A_428 = arith.mulf %parallel_loop3A_424, %parallel_loop3A_427 : vector<16xf32>
      %parallel_loop3A_429 = arith.addf %parallel_loop3A_421, %parallel_loop3A_428 : vector<16xf32>
      %parallel_loop3A_430 = arith.index_cast %parallel_loop3A_86 : i32 to index
      %parallel_loop3A_431 = arith.constant 672 : index
      %parallel_loop3A_432 = tpu.vector_load %arg5[%parallel_loop3A_430, %parallel_loop3A_431] {strides = array<i32>} : memref<32x1024xf32, #tpu.memory_space<vmem>>, vector<16xf32>,
      %parallel_loop3A_433 = arith.index_cast %parallel_loop3A_86 : i32 to index
      %parallel_loop3A_434 = arith.constant 672 : index
      %parallel_loop3A_435 = tpu.vector_load %arg6[%parallel_loop3A_433, %parallel_loop3A_434] {strides = array<i32>} : memref<32x1024xf32, #tpu.memory_space<vmem>>, vector<16xf32>,
      %parallel_loop3A_436 = arith.mulf %parallel_loop3A_432, %parallel_loop3A_435 : vector<16xf32>
      %parallel_loop3A_437 = arith.addf %parallel_loop3A_429, %parallel_loop3A_436 : vector<16xf32>
      %parallel_loop3A_438 = arith.index_cast %parallel_loop3A_86 : i32 to index
      %parallel_loop3A_439 = arith.constant 688 : index
      %parallel_loop3A_440 = tpu.vector_load %arg5[%parallel_loop3A_438, %parallel_loop3A_439] {strides = array<i32>} : memref<32x1024xf32, #tpu.memory_space<vmem>>, vector<16xf32>,
      %parallel_loop3A_441 = arith.index_cast %parallel_loop3A_86 : i32 to index
      %parallel_loop3A_442 = arith.constant 688 : index
      %parallel_loop3A_443 = tpu.vector_load %arg6[%parallel_loop3A_441, %parallel_loop3A_442] {strides = array<i32>} : memref<32x1024xf32, #tpu.memory_space<vmem>>, vector<16xf32>,
      %parallel_loop3A_444 = arith.mulf %parallel_loop3A_440, %parallel_loop3A_443 : vector<16xf32>
      %parallel_loop3A_445 = arith.addf %parallel_loop3A_437, %parallel_loop3A_444 : vector<16xf32>
      %parallel_loop3A_446 = arith.index_cast %parallel_loop3A_86 : i32 to index
      %parallel_loop3A_447 = arith.constant 704 : index
      %parallel_loop3A_448 = tpu.vector_load %arg5[%parallel_loop3A_446, %parallel_loop3A_447] {strides = array<i32>} : memref<32x1024xf32, #tpu.memory_space<vmem>>, vector<16xf32>,
      %parallel_loop3A_449 = arith.index_cast %parallel_loop3A_86 : i32 to index
      %parallel_loop3A_450 = arith.constant 704 : index
      %parallel_loop3A_451 = tpu.vector_load %arg6[%parallel_loop3A_449, %parallel_loop3A_450] {strides = array<i32>} : memref<32x1024xf32, #tpu.memory_space<vmem>>, vector<16xf32>,
      %parallel_loop3A_452 = arith.mulf %parallel_loop3A_448, %parallel_loop3A_451 : vector<16xf32>
      %parallel_loop3A_453 = arith.addf %parallel_loop3A_445, %parallel_loop3A_452 : vector<16xf32>
      %parallel_loop3A_454 = arith.index_cast %parallel_loop3A_86 : i32 to index
      %parallel_loop3A_455 = arith.constant 720 : index
      %parallel_loop3A_456 = tpu.vector_load %arg5[%parallel_loop3A_454, %parallel_loop3A_455] {strides = array<i32>} : memref<32x1024xf32, #tpu.memory_space<vmem>>, vector<16xf32>,
      %parallel_loop3A_457 = arith.index_cast %parallel_loop3A_86 : i32 to index
      %parallel_loop3A_458 = arith.constant 720 : index
      %parallel_loop3A_459 = tpu.vector_load %arg6[%parallel_loop3A_457, %parallel_loop3A_458] {strides = array<i32>} : memref<32x1024xf32, #tpu.memory_space<vmem>>, vector<16xf32>,
      %parallel_loop3A_460 = arith.mulf %parallel_loop3A_456, %parallel_loop3A_459 : vector<16xf32>
      %parallel_loop3A_461 = arith.addf %parallel_loop3A_453, %parallel_loop3A_460 : vector<16xf32>
      %parallel_loop3A_462 = arith.index_cast %parallel_loop3A_86 : i32 to index
      %parallel_loop3A_463 = arith.constant 736 : index
      %parallel_loop3A_464 = tpu.vector_load %arg5[%parallel_loop3A_462, %parallel_loop3A_463] {strides = array<i32>} : memref<32x1024xf32, #tpu.memory_space<vmem>>, vector<16xf32>,
      %parallel_loop3A_465 = arith.index_cast %parallel_loop3A_86 : i32 to index
      %parallel_loop3A_466 = arith.constant 736 : index
      %parallel_loop3A_467 = tpu.vector_load %arg6[%parallel_loop3A_465, %parallel_loop3A_466] {strides = array<i32>} : memref<32x1024xf32, #tpu.memory_space<vmem>>, vector<16xf32>,
      %parallel_loop3A_468 = arith.mulf %parallel_loop3A_464, %parallel_loop3A_467 : vector<16xf32>
      %parallel_loop3A_469 = arith.addf %parallel_loop3A_461, %parallel_loop3A_468 : vector<16xf32>
      %parallel_loop3A_470 = arith.index_cast %parallel_loop3A_86 : i32 to index
      %parallel_loop3A_471 = arith.constant 752 : index
      %parallel_loop3A_472 = tpu.vector_load %arg5[%parallel_loop3A_470, %parallel_loop3A_471] {strides = array<i32>} : memref<32x1024xf32, #tpu.memory_space<vmem>>, vector<16xf32>,
      %parallel_loop3A_473 = arith.index_cast %parallel_loop3A_86 : i32 to index
      %parallel_loop3A_474 = arith.constant 752 : index
      %parallel_loop3A_475 = tpu.vector_load %arg6[%parallel_loop3A_473, %parallel_loop3A_474] {strides = array<i32>} : memref<32x1024xf32, #tpu.memory_space<vmem>>, vector<16xf32>,
      %parallel_loop3A_476 = arith.mulf %parallel_loop3A_472, %parallel_loop3A_475 : vector<16xf32>
      %parallel_loop3A_477 = arith.addf %parallel_loop3A_469, %parallel_loop3A_476 : vector<16xf32>
      %parallel_loop3A_478 = arith.index_cast %parallel_loop3A_86 : i32 to index
      %parallel_loop3A_479 = arith.constant 768 : index
      %parallel_loop3A_480 = tpu.vector_load %arg5[%parallel_loop3A_478, %parallel_loop3A_479] {strides = array<i32>} : memref<32x1024xf32, #tpu.memory_space<vmem>>, vector<16xf32>,
      %parallel_loop3A_481 = arith.index_cast %parallel_loop3A_86 : i32 to index
      %parallel_loop3A_482 = arith.constant 768 : index
      %parallel_loop3A_483 = tpu.vector_load %arg6[%parallel_loop3A_481, %parallel_loop3A_482] {strides = array<i32>} : memref<32x1024xf32, #tpu.memory_space<vmem>>, vector<16xf32>,
      %parallel_loop3A_484 = arith.mulf %parallel_loop3A_480, %parallel_loop3A_483 : vector<16xf32>
      %parallel_loop3A_485 = arith.addf %parallel_loop3A_477, %parallel_loop3A_484 : vector<16xf32>
      %parallel_loop3A_486 = arith.index_cast %parallel_loop3A_86 : i32 to index
      %parallel_loop3A_487 = arith.constant 784 : index
      %parallel_loop3A_488 = tpu.vector_load %arg5[%parallel_loop3A_486, %parallel_loop3A_487] {strides = array<i32>} : memref<32x1024xf32, #tpu.memory_space<vmem>>, vector<16xf32>,
      %parallel_loop3A_489 = arith.index_cast %parallel_loop3A_86 : i32 to index
      %parallel_loop3A_490 = arith.constant 784 : index
      %parallel_loop3A_491 = tpu.vector_load %arg6[%parallel_loop3A_489, %parallel_loop3A_490] {strides = array<i32>} : memref<32x1024xf32, #tpu.memory_space<vmem>>, vector<16xf32>,
      %parallel_loop3A_492 = arith.mulf %parallel_loop3A_488, %parallel_loop3A_491 : vector<16xf32>
      %parallel_loop3A_493 = arith.addf %parallel_loop3A_485, %parallel_loop3A_492 : vector<16xf32>
      %parallel_loop3A_494 = arith.index_cast %parallel_loop3A_86 : i32 to index
      %parallel_loop3A_495 = arith.constant 800 : index
      %parallel_loop3A_496 = tpu.vector_load %arg5[%parallel_loop3A_494, %parallel_loop3A_495] {strides = array<i32>} : memref<32x1024xf32, #tpu.memory_space<vmem>>, vector<16xf32>,
      %parallel_loop3A_497 = arith.index_cast %parallel_loop3A_86 : i32 to index
      %parallel_loop3A_498 = arith.constant 800 : index
      %parallel_loop3A_499 = tpu.vector_load %arg6[%parallel_loop3A_497, %parallel_loop3A_498] {strides = array<i32>} : memref<32x1024xf32, #tpu.memory_space<vmem>>, vector<16xf32>,
      %parallel_loop3A_500 = arith.mulf %parallel_loop3A_496, %parallel_loop3A_499 : vector<16xf32>
      %parallel_loop3A_501 = arith.addf %parallel_loop3A_493, %parallel_loop3A_500 : vector<16xf32>
      %parallel_loop3A_502 = arith.index_cast %parallel_loop3A_86 : i32 to index
      %parallel_loop3A_503 = arith.constant 816 : index
      %parallel_loop3A_504 = tpu.vector_load %arg5[%parallel_loop3A_502, %parallel_loop3A_503] {strides = array<i32>} : memref<32x1024xf32, #tpu.memory_space<vmem>>, vector<16xf32>,
      %parallel_loop3A_505 = arith.index_cast %parallel_loop3A_86 : i32 to index
      %parallel_loop3A_506 = arith.constant 816 : index
      %parallel_loop3A_507 = tpu.vector_load %arg6[%parallel_loop3A_505, %parallel_loop3A_506] {strides = array<i32>} : memref<32x1024xf32, #tpu.memory_space<vmem>>, vector<16xf32>,
      %parallel_loop3A_508 = arith.mulf %parallel_loop3A_504, %parallel_loop3A_507 : vector<16xf32>
      %parallel_loop3A_509 = arith.addf %parallel_loop3A_501, %parallel_loop3A_508 : vector<16xf32>
      %parallel_loop3A_510 = arith.index_cast %parallel_loop3A_86 : i32 to index
      %parallel_loop3A_511 = arith.constant 832 : index
      %parallel_loop3A_512 = tpu.vector_load %arg5[%parallel_loop3A_510, %parallel_loop3A_511] {strides = array<i32>} : memref<32x1024xf32, #tpu.memory_space<vmem>>, vector<16xf32>,
      %parallel_loop3A_513 = arith.index_cast %parallel_loop3A_86 : i32 to index
      %parallel_loop3A_514 = arith.constant 832 : index
      %parallel_loop3A_515 = tpu.vector_load %arg6[%parallel_loop3A_513, %parallel_loop3A_514] {strides = array<i32>} : memref<32x1024xf32, #tpu.memory_space<vmem>>, vector<16xf32>,
      %parallel_loop3A_516 = arith.mulf %parallel_loop3A_512, %parallel_loop3A_515 : vector<16xf32>
      %parallel_loop3A_517 = arith.addf %parallel_loop3A_509, %parallel_loop3A_516 : vector<16xf32>
      %parallel_loop3A_518 = arith.index_cast %parallel_loop3A_86 : i32 to index
      %parallel_loop3A_519 = arith.constant 848 : index
      %parallel_loop3A_520 = tpu.vector_load %arg5[%parallel_loop3A_518, %parallel_loop3A_519] {strides = array<i32>} : memref<32x1024xf32, #tpu.memory_space<vmem>>, vector<16xf32>,
      %parallel_loop3A_521 = arith.index_cast %parallel_loop3A_86 : i32 to index
      %parallel_loop3A_522 = arith.constant 848 : index
      %parallel_loop3A_523 = tpu.vector_load %arg6[%parallel_loop3A_521, %parallel_loop3A_522] {strides = array<i32>} : memref<32x1024xf32, #tpu.memory_space<vmem>>, vector<16xf32>,
      %parallel_loop3A_524 = arith.mulf %parallel_loop3A_520, %parallel_loop3A_523 : vector<16xf32>
      %parallel_loop3A_525 = arith.addf %parallel_loop3A_517, %parallel_loop3A_524 : vector<16xf32>
      %parallel_loop3A_526 = arith.index_cast %parallel_loop3A_86 : i32 to index
      %parallel_loop3A_527 = arith.constant 864 : index
      %parallel_loop3A_528 = tpu.vector_load %arg5[%parallel_loop3A_526, %parallel_loop3A_527] {strides = array<i32>} : memref<32x1024xf32, #tpu.memory_space<vmem>>, vector<16xf32>,
      %parallel_loop3A_529 = arith.index_cast %parallel_loop3A_86 : i32 to index
      %parallel_loop3A_530 = arith.constant 864 : index
      %parallel_loop3A_531 = tpu.vector_load %arg6[%parallel_loop3A_529, %parallel_loop3A_530] {strides = array<i32>} : memref<32x1024xf32, #tpu.memory_space<vmem>>, vector<16xf32>,
      %parallel_loop3A_532 = arith.mulf %parallel_loop3A_528, %parallel_loop3A_531 : vector<16xf32>
      %parallel_loop3A_533 = arith.addf %parallel_loop3A_525, %parallel_loop3A_532 : vector<16xf32>
      %parallel_loop3A_534 = arith.index_cast %parallel_loop3A_86 : i32 to index
      %parallel_loop3A_535 = arith.constant 880 : index
      %parallel_loop3A_536 = tpu.vector_load %arg5[%parallel_loop3A_534, %parallel_loop3A_535] {strides = array<i32>} : memref<32x1024xf32, #tpu.memory_space<vmem>>, vector<16xf32>,
      %parallel_loop3A_537 = arith.index_cast %parallel_loop3A_86 : i32 to index
      %parallel_loop3A_538 = arith.constant 880 : index
      %parallel_loop3A_539 = tpu.vector_load %arg6[%parallel_loop3A_537, %parallel_loop3A_538] {strides = array<i32>} : memref<32x1024xf32, #tpu.memory_space<vmem>>, vector<16xf32>,
      %parallel_loop3A_540 = arith.mulf %parallel_loop3A_536, %parallel_loop3A_539 : vector<16xf32>
      %parallel_loop3A_541 = arith.addf %parallel_loop3A_533, %parallel_loop3A_540 : vector<16xf32>
      %parallel_loop3A_542 = arith.index_cast %parallel_loop3A_86 : i32 to index
      %parallel_loop3A_543 = arith.constant 896 : index
      %parallel_loop3A_544 = tpu.vector_load %arg5[%parallel_loop3A_542, %parallel_loop3A_543] {strides = array<i32>} : memref<32x1024xf32, #tpu.memory_space<vmem>>, vector<16xf32>,
      %parallel_loop3A_545 = arith.index_cast %parallel_loop3A_86 : i32 to index
      %parallel_loop3A_546 = arith.constant 896 : index
      %parallel_loop3A_547 = tpu.vector_load %arg6[%parallel_loop3A_545, %parallel_loop3A_546] {strides = array<i32>} : memref<32x1024xf32, #tpu.memory_space<vmem>>, vector<16xf32>,
      %parallel_loop3A_548 = arith.mulf %parallel_loop3A_544, %parallel_loop3A_547 : vector<16xf32>
      %parallel_loop3A_549 = arith.addf %parallel_loop3A_541, %parallel_loop3A_548 : vector<16xf32>
      %parallel_loop3A_550 = arith.index_cast %parallel_loop3A_86 : i32 to index
      %parallel_loop3A_551 = arith.constant 912 : index
      %parallel_loop3A_552 = tpu.vector_load %arg5[%parallel_loop3A_550, %parallel_loop3A_551] {strides = array<i32>} : memref<32x1024xf32, #tpu.memory_space<vmem>>, vector<16xf32>,
      %parallel_loop3A_553 = arith.index_cast %parallel_loop3A_86 : i32 to index
      %parallel_loop3A_554 = arith.constant 912 : index
      %parallel_loop3A_555 = tpu.vector_load %arg6[%parallel_loop3A_553, %parallel_loop3A_554] {strides = array<i32>} : memref<32x1024xf32, #tpu.memory_space<vmem>>, vector<16xf32>,
      %parallel_loop3A_556 = arith.mulf %parallel_loop3A_552, %parallel_loop3A_555 : vector<16xf32>
      %parallel_loop3A_557 = arith.addf %parallel_loop3A_549, %parallel_loop3A_556 : vector<16xf32>
      %parallel_loop3A_558 = arith.index_cast %parallel_loop3A_86 : i32 to index
      %parallel_loop3A_559 = arith.constant 928 : index
      %parallel_loop3A_560 = tpu.vector_load %arg5[%parallel_loop3A_558, %parallel_loop3A_559] {strides = array<i32>} : memref<32x1024xf32, #tpu.memory_space<vmem>>, vector<16xf32>,
      %parallel_loop3A_561 = arith.index_cast %parallel_loop3A_86 : i32 to index
      %parallel_loop3A_562 = arith.constant 928 : index
      %parallel_loop3A_563 = tpu.vector_load %arg6[%parallel_loop3A_561, %parallel_loop3A_562] {strides = array<i32>} : memref<32x1024xf32, #tpu.memory_space<vmem>>, vector<16xf32>,
      %parallel_loop3A_564 = arith.mulf %parallel_loop3A_560, %parallel_loop3A_563 : vector<16xf32>
      %parallel_loop3A_565 = arith.addf %parallel_loop3A_557, %parallel_loop3A_564 : vector<16xf32>
      %parallel_loop3A_566 = arith.index_cast %parallel_loop3A_86 : i32 to index
      %parallel_loop3A_567 = arith.constant 944 : index
      %parallel_loop3A_568 = tpu.vector_load %arg5[%parallel_loop3A_566, %parallel_loop3A_567] {strides = array<i32>} : memref<32x1024xf32, #tpu.memory_space<vmem>>, vector<16xf32>,
      %parallel_loop3A_569 = arith.index_cast %parallel_loop3A_86 : i32 to index
      %parallel_loop3A_570 = arith.constant 944 : index
      %parallel_loop3A_571 = tpu.vector_load %arg6[%parallel_loop3A_569, %parallel_loop3A_570] {strides = array<i32>} : memref<32x1024xf32, #tpu.memory_space<vmem>>, vector<16xf32>,
      %parallel_loop3A_572 = arith.mulf %parallel_loop3A_568, %parallel_loop3A_571 : vector<16xf32>
      %parallel_loop3A_573 = arith.addf %parallel_loop3A_565, %parallel_loop3A_572 : vector<16xf32>
      %parallel_loop3A_574 = arith.index_cast %parallel_loop3A_86 : i32 to index
      %parallel_loop3A_575 = arith.constant 960 : index
      %parallel_loop3A_576 = tpu.vector_load %arg5[%parallel_loop3A_574, %parallel_loop3A_575] {strides = array<i32>} : memref<32x1024xf32, #tpu.memory_space<vmem>>, vector<16xf32>,
      %parallel_loop3A_577 = arith.index_cast %parallel_loop3A_86 : i32 to index
      %parallel_loop3A_578 = arith.constant 960 : index
      %parallel_loop3A_579 = tpu.vector_load %arg6[%parallel_loop3A_577, %parallel_loop3A_578] {strides = array<i32>} : memref<32x1024xf32, #tpu.memory_space<vmem>>, vector<16xf32>,
      %parallel_loop3A_580 = arith.mulf %parallel_loop3A_576, %parallel_loop3A_579 : vector<16xf32>
      %parallel_loop3A_581 = arith.addf %parallel_loop3A_573, %parallel_loop3A_580 : vector<16xf32>
      %parallel_loop3A_582 = arith.index_cast %parallel_loop3A_86 : i32 to index
      %parallel_loop3A_583 = arith.constant 976 : index
      %parallel_loop3A_584 = tpu.vector_load %arg5[%parallel_loop3A_582, %parallel_loop3A_583] {strides = array<i32>} : memref<32x1024xf32, #tpu.memory_space<vmem>>, vector<16xf32>,
      %parallel_loop3A_585 = arith.index_cast %parallel_loop3A_86 : i32 to index
      %parallel_loop3A_586 = arith.constant 976 : index
      %parallel_loop3A_587 = tpu.vector_load %arg6[%parallel_loop3A_585, %parallel_loop3A_586] {strides = array<i32>} : memref<32x1024xf32, #tpu.memory_space<vmem>>, vector<16xf32>,
      %parallel_loop3A_588 = arith.mulf %parallel_loop3A_584, %parallel_loop3A_587 : vector<16xf32>
      %parallel_loop3A_589 = arith.addf %parallel_loop3A_581, %parallel_loop3A_588 : vector<16xf32>
      %parallel_loop3A_590 = arith.index_cast %parallel_loop3A_86 : i32 to index
      %parallel_loop3A_591 = arith.constant 992 : index
      %parallel_loop3A_592 = tpu.vector_load %arg5[%parallel_loop3A_590, %parallel_loop3A_591] {strides = array<i32>} : memref<32x1024xf32, #tpu.memory_space<vmem>>, vector<16xf32>,
      %parallel_loop3A_593 = arith.index_cast %parallel_loop3A_86 : i32 to index
      %parallel_loop3A_594 = arith.constant 992 : index
      %parallel_loop3A_595 = tpu.vector_load %arg6[%parallel_loop3A_593, %parallel_loop3A_594] {strides = array<i32>} : memref<32x1024xf32, #tpu.memory_space<vmem>>, vector<16xf32>,
      %parallel_loop3A_596 = arith.mulf %parallel_loop3A_592, %parallel_loop3A_595 : vector<16xf32>
      %parallel_loop3A_597 = arith.addf %parallel_loop3A_589, %parallel_loop3A_596 : vector<16xf32>
      %parallel_loop3A_598 = arith.index_cast %parallel_loop3A_86 : i32 to index
      %parallel_loop3A_599 = arith.constant 1008 : index
      %parallel_loop3A_600 = tpu.vector_load %arg5[%parallel_loop3A_598, %parallel_loop3A_599] {strides = array<i32>} : memref<32x1024xf32, #tpu.memory_space<vmem>>, vector<16xf32>,
      %parallel_loop3A_601 = arith.index_cast %parallel_loop3A_86 : i32 to index
      %parallel_loop3A_602 = arith.constant 1008 : index
      %parallel_loop3A_603 = tpu.vector_load %arg6[%parallel_loop3A_601, %parallel_loop3A_602] {strides = array<i32>} : memref<32x1024xf32, #tpu.memory_space<vmem>>, vector<16xf32>,
      %parallel_loop3A_604 = arith.mulf %parallel_loop3A_600, %parallel_loop3A_603 : vector<16xf32>
      %parallel_loop3A_605 = arith.addf %parallel_loop3A_597, %parallel_loop3A_604 : vector<16xf32>
      %parallel_loop3A_606 = vector.broadcast %parallel_loop3A_91 : f32 to vector<16xf32>
      %parallel_loop3A_607 = arith.mulf %parallel_loop3A_606, %parallel_loop3A_605 : vector<16xf32>
      %parallel_loop3A_608 = arith.addf %parallel_loop3A_87, %parallel_loop3A_607 : vector<16xf32>
      scf.yield %parallel_loop3A_608 : vector<16xf32>
    } {sc.loop_unroll_factor = 1 : i64, sc.parallel_access}
    %swap3A_79 = arith.constant 0 : index
    %swap3A_80 = tpu.vector_load %arg10[%swap3A_79] {strides = array<i32>} : memref<16xf32, #tpu.memory_space<vmem>>, vector<16xf32>,
    tpu.vector_store %arg10[%swap3A_79], %parallel_loop3A_78 {strides = array<i32>} : memref<16xf32, #tpu.memory_space<vmem>>, vector<16xf32>,
    %mul3A_81 = arith.constant 16 : i32
    %mul3A_82 = arith.muli %add3A, %mul3A_81 : i32
    "tpu.region"() ({
      %run_scoped3A = tpu.sem_alloc : memref<!tpu.dma_semaphore, #tpu.memory_space<semaphore_mem>>
      %dma_start3A_86 = tpu.memref_slice %arg4[%mul3A_82] : memref<544xf32, #tpu.memory_space<hbm>> -> memref<16xf32, #tpu.memory_space<hbm>>
      %dma_start3A_87 = tpu.memref_slice %arg4[%mul3A_82] : memref<544xf32, #tpu.memory_space<hbm>> -> memref<16xf32, #tpu.memory_space<hbm>>
      tpu.enqueue_dma source(%arg10 : memref<16xf32, #tpu.memory_space<vmem>>) target(%dma_start3A_87 : memref<16xf32, #tpu.memory_space<hbm>>) target_semaphore(%run_scoped3A : memref<!tpu.dma_semaphore, #tpu.memory_space<semaphore_mem>>)
      %dma_wait3A_88 = tpu.memref_slice %arg4[%mul3A_82] : memref<544xf32, #tpu.memory_space<hbm>> -> memref<16xf32, #tpu.memory_space<hbm>>
      %dma_wait3A_89 = tpu.memref_slice %arg4[%mul3A_82] : memref<544xf32, #tpu.memory_space<hbm>> -> memref<16xf32, #tpu.memory_space<hbm>>
      tpu.wait_dma2 semaphore(%run_scoped3A : memref<!tpu.dma_semaphore, #tpu.memory_space<semaphore_mem>>) src(%arg10 : memref<16xf32, #tpu.memory_space<vmem>>) dst(%dma_wait3A_89 : memref<16xf32, #tpu.memory_space<hbm>>)
      tpu.yield
    }) : () -> ()
    %eq3A = arith.constant 0 : i32
    %eq3A_83 = arith.cmpi eq, %add3A, %eq3A : i32
    %convert_element_type3A_84 = arith.extui %eq3A_83 : i1 to i32
    %cond3A = arith.constant 0 : i32
    %cond3A_85 = arith.cmpi ne, %convert_element_type3A_84, %cond3A : i32
    scf.if %cond3A_85 {
      "tpu.region"() ({
        %run_scoped3A = tpu.sem_alloc : memref<!tpu.dma_semaphore, #tpu.memory_space<semaphore_mem>>
        %dma_start3A_127 = arith.constant 0 : i32
        %dma_start3A_128 = tpu.memref_slice %arg3[%dma_start3A_127] : memref<1000xi32, #tpu.memory_space<hbm>> -> memref<112xi32, #tpu.memory_space<hbm>>
        %dma_start3A_129 = arith.constant 0 : i32
        %dma_start3A_130 = tpu.memref_slice %arg3[%dma_start3A_129] : memref<1000xi32, #tpu.memory_space<hbm>> -> memref<112xi32, #tpu.memory_space<hbm>>
        tpu.enqueue_dma source(%dma_start3A_130 : memref<112xi32, #tpu.memory_space<hbm>>) target(%arg8 : memref<112xi32, #tpu.memory_space<vmem>>) target_semaphore(%run_scoped3A : memref<!tpu.dma_semaphore, #tpu.memory_space<semaphore_mem>>)
        %dma_wait3A_131 = arith.constant 0 : i32
        %dma_wait3A_132 = tpu.memref_slice %arg3[%dma_wait3A_131] : memref<1000xi32, #tpu.memory_space<hbm>> -> memref<112xi32, #tpu.memory_space<hbm>>
        %dma_wait3A_133 = arith.constant 0 : i32
        %dma_wait3A_134 = tpu.memref_slice %arg3[%dma_wait3A_133] : memref<1000xi32, #tpu.memory_space<hbm>> -> memref<112xi32, #tpu.memory_space<hbm>>
        tpu.wait_dma2 semaphore(%run_scoped3A : memref<!tpu.dma_semaphore, #tpu.memory_space<semaphore_mem>>) src(%dma_wait3A_134 : memref<112xi32, #tpu.memory_space<hbm>>) dst(%arg8 : memref<112xi32, #tpu.memory_space<vmem>>)
        tpu.yield
      }) : () -> ()
      %broadcast_in_dim3A_86 = arith.constant 0.000000e+00 : f32
      %broadcast_in_dim3A_87 = vector.broadcast %broadcast_in_dim3A_86 : f32 to vector<16xf32>
      %get3A = arith.constant 0 : index
      %get3A_88 = tpu.vector_load %arg8[%get3A] {strides = array<i32>} : memref<112xi32, #tpu.memory_space<vmem>>, vector<16xi32>,
      %convert_element_type3A_89 = arith.sitofp %get3A_88 : vector<16xi32> to vector<16xf32>
      %add3A_90 = arith.addf %broadcast_in_dim3A_87, %convert_element_type3A_89 : vector<16xf32>
      %get3A_91 = arith.constant 16 : index
      %get3A_92 = tpu.vector_load %arg8[%get3A_91] {strides = array<i32>} : memref<112xi32, #tpu.memory_space<vmem>>, vector<16xi32>,
      %convert_element_type3A_93 = arith.sitofp %get3A_92 : vector<16xi32> to vector<16xf32>
      %add3A_94 = arith.addf %add3A_90, %convert_element_type3A_93 : vector<16xf32>
      %get3A_95 = arith.constant 32 : index
      %get3A_96 = tpu.vector_load %arg8[%get3A_95] {strides = array<i32>} : memref<112xi32, #tpu.memory_space<vmem>>, vector<16xi32>,
      %convert_element_type3A_97 = arith.sitofp %get3A_96 : vector<16xi32> to vector<16xf32>
      %add3A_98 = arith.addf %add3A_94, %convert_element_type3A_97 : vector<16xf32>
      %get3A_99 = arith.constant 48 : index
      %get3A_100 = tpu.vector_load %arg8[%get3A_99] {strides = array<i32>} : memref<112xi32, #tpu.memory_space<vmem>>, vector<16xi32>,
      %convert_element_type3A_101 = arith.sitofp %get3A_100 : vector<16xi32> to vector<16xf32>
      %add3A_102 = arith.addf %add3A_98, %convert_element_type3A_101 : vector<16xf32>
      %get3A_103 = arith.constant 64 : index
      %get3A_104 = tpu.vector_load %arg8[%get3A_103] {strides = array<i32>} : memref<112xi32, #tpu.memory_space<vmem>>, vector<16xi32>,
      %convert_element_type3A_105 = arith.sitofp %get3A_104 : vector<16xi32> to vector<16xf32>
      %add3A_106 = arith.addf %add3A_102, %convert_element_type3A_105 : vector<16xf32>
      %get3A_107 = arith.constant 80 : index
      %get3A_108 = tpu.vector_load %arg8[%get3A_107] {strides = array<i32>} : memref<112xi32, #tpu.memory_space<vmem>>, vector<16xi32>,
      %convert_element_type3A_109 = arith.sitofp %get3A_108 : vector<16xi32> to vector<16xf32>
      %add3A_110 = arith.addf %add3A_106, %convert_element_type3A_109 : vector<16xf32>
      %get3A_111 = arith.constant 96 : index
      %get3A_112 = tpu.vector_load %arg8[%get3A_111] {strides = array<i32>} : memref<112xi32, #tpu.memory_space<vmem>>, vector<16xi32>,
      %convert_element_type3A_113 = arith.sitofp %get3A_112 : vector<16xi32> to vector<16xf32>
      %lt3A_114 = arith.constant 4 : i32
      %lt3A_115 = vector.broadcast %lt3A_114 : i32 to vector<16xi32>
      %lt3A_116 = arith.cmpi slt, %iota3A, %lt3A_115 : vector<16xi32>
      %jit3A_117 = arith.constant 0.000000e+00 : f32
      %broadcast_in_dim3A_118 = vector.broadcast %jit3A_117 : f32 to vector<16xf32>
      %select_n3A_119 = arith.select %lt3A_116, %convert_element_type3A_113, %broadcast_in_dim3A_118 : vector<16xi1>, vector<16xf32>
      %add3A_120 = arith.addf %add3A_110, %select_n3A_119 : vector<16xf32>
      %swap3A_121 = arith.constant 0 : index
      %swap3A_122 = tpu.vector_load %arg11[%swap3A_121] {strides = array<i32>} : memref<32xf32, #tpu.memory_space<vmem>>, vector<16xf32>,
      tpu.vector_store %arg11[%swap3A_121], %add3A_120 {strides = array<i32>} : memref<32xf32, #tpu.memory_space<vmem>>, vector<16xf32>,
      %broadcast_in_dim3A_123 = arith.constant 0.000000e+00 : f32
      %broadcast_in_dim3A_124 = vector.broadcast %broadcast_in_dim3A_123 : f32 to vector<16xf32>
      %swap3A_125 = arith.constant 16 : index
      %swap3A_126 = tpu.vector_load %arg11[%swap3A_125] {strides = array<i32>} : memref<32xf32, #tpu.memory_space<vmem>>, vector<16xf32>,
      tpu.vector_store %arg11[%swap3A_125], %broadcast_in_dim3A_124 {strides = array<i32>} : memref<32xf32, #tpu.memory_space<vmem>>, vector<16xf32>,
      "tpu.region"() ({
        %run_scoped3A = tpu.sem_alloc : memref<!tpu.dma_semaphore, #tpu.memory_space<semaphore_mem>>
        %dma_start3A_127 = arith.constant 512 : i32
        %dma_start3A_128 = tpu.memref_slice %arg4[%dma_start3A_127] : memref<544xf32, #tpu.memory_space<hbm>> -> memref<32xf32, #tpu.memory_space<hbm>>
        %dma_start3A_129 = arith.constant 512 : i32
        %dma_start3A_130 = tpu.memref_slice %arg4[%dma_start3A_129] : memref<544xf32, #tpu.memory_space<hbm>> -> memref<32xf32, #tpu.memory_space<hbm>>
        tpu.enqueue_dma source(%arg11 : memref<32xf32, #tpu.memory_space<vmem>>) target(%dma_start3A_130 : memref<32xf32, #tpu.memory_space<hbm>>) target_semaphore(%run_scoped3A : memref<!tpu.dma_semaphore, #tpu.memory_space<semaphore_mem>>)
        %dma_wait3A_131 = arith.constant 512 : i32
        %dma_wait3A_132 = tpu.memref_slice %arg4[%dma_wait3A_131] : memref<544xf32, #tpu.memory_space<hbm>> -> memref<32xf32, #tpu.memory_space<hbm>>
        %dma_wait3A_133 = arith.constant 512 : i32
        %dma_wait3A_134 = tpu.memref_slice %arg4[%dma_wait3A_133] : memref<544xf32, #tpu.memory_space<hbm>> -> memref<32xf32, #tpu.memory_space<hbm>>
        tpu.wait_dma2 semaphore(%run_scoped3A : memref<!tpu.dma_semaphore, #tpu.memory_space<semaphore_mem>>) src(%arg11 : memref<32xf32, #tpu.memory_space<vmem>>) dst(%dma_wait3A_134 : memref<32xf32, #tpu.memory_space<hbm>>)
        tpu.yield
      }) : () -> ()
    } else {
    }
    return
  }
}

module attributes {stable_mosaic.version = 14 : i64} {
  func.func @body(%arg0: memref<544xf32, #tpu.memory_space<vmem>>, %arg1: memref<1xf32, #tpu.memory_space<vmem>>, %arg2: memref<1024xf32, #tpu.memory_space<vmem>>) attributes {dimension_semantics = [], scalar_prefetch = 0 : i64, scratch_operands = 0 : i64, tpu.core_type = #tpu.core_type<tc>} {
    %get3A = arith.constant 0 : index
    %get3A_0 = vector.load %arg0[%get3A] : memref<544xf32, #tpu.memory_space<vmem>>, vector<512xf32>
    %reduce_sum3A = vector.shape_cast %get3A_0 : vector<512xf32> to vector<1x512xf32>
    %reduce_sum3A_1 = arith.constant dense<0.000000e+00> : vector<1xf32>
    %reduce_sum3A_2 = vector.multi_reduction <add>, %reduce_sum3A, %reduce_sum3A_1 [1] : vector<1x512xf32> to vector<1xf32>
    %reduce_sum3A_3 = vector.shape_cast %reduce_sum3A_2 : vector<1xf32> to vector<1x1xf32>
    %reduce_sum3A_4 = vector.extract %reduce_sum3A_3[0, 0] : f32 from vector<1x1xf32>
    %get3A_5 = arith.constant 512 : index
    %get3A_6 = vector.load %arg0[%get3A_5] : memref<544xf32, #tpu.memory_space<vmem>>, vector<32xf32>
    %reduce_sum3A_7 = vector.shape_cast %get3A_6 : vector<32xf32> to vector<1x32xf32>
    %reduce_sum3A_8 = arith.constant dense<0.000000e+00> : vector<1xf32>
    %reduce_sum3A_9 = vector.multi_reduction <add>, %reduce_sum3A_7, %reduce_sum3A_8 [1] : vector<1x32xf32> to vector<1xf32>
    %reduce_sum3A_10 = vector.shape_cast %reduce_sum3A_9 : vector<1xf32> to vector<1x1xf32>
    %reduce_sum3A_11 = vector.extract %reduce_sum3A_10[0, 0] : f32 from vector<1x1xf32>
    %div3A = arith.constant 1.024000e+06 : f32
    %div3A_12 = arith.divf %reduce_sum3A_4, %div3A : f32
    %broadcast_in_dim3A = vector.broadcast %div3A_12 : f32 to vector<1xf32>
    %swap3A = arith.constant 0 : index
    %swap3A_13 = vector.load %arg1[%swap3A] : memref<1xf32, #tpu.memory_space<vmem>>, vector<1xf32>
    tpu.vector_store %arg1[%swap3A], %broadcast_in_dim3A {strides = array<i32>} : memref<1xf32, #tpu.memory_space<vmem>>, vector<1xf32>,
    %div3A_14 = arith.constant 1.000000e+02 : f32
    %div3A_15 = arith.divf %reduce_sum3A_11, %div3A_14 : f32
    %broadcast_in_dim3A_16 = vector.broadcast %div3A_15 : f32 to vector<1024xf32>
    %swap3A_17 = arith.constant 0 : index
    %swap3A_18 = vector.load %arg2[%swap3A_17] : memref<1024xf32, #tpu.memory_space<vmem>>, vector<1024xf32>
    tpu.vector_store %arg2[%swap3A_17], %broadcast_in_dim3A_16 {strides = array<i32>} : memref<1024xf32, #tpu.memory_space<vmem>>, vector<1024xf32>,
    return
  }
}

</mosaic_0001>

<sc_bundles>
// kernel: kernel.4.cloned.1.call-start
scs
__scs_entry_jumppad:
0x0: {  	(pc) =	sbr.rel $0x88, $3  }
0x1: {  	(tag) =	ssettag $0x0;
	lr =	simm.s32 $0x1  }
0x2: {  	[smem:$0x3F9F] =	sst lr;
	_ =	strace $0xD0000000  }
0x3: {  	_ = 	snop  }
0x4: {  	_ = 	snop  }
0x5: {  	_ = 	snop  }
0x6: {  	_ = 	snop  }
0x7: {  	_ = 	snop  }
__scs_overlays_trampoline_lowered:
0x8: {  	[smem:$0x3FAE] =	sst s0  }
0x9: {  	[smem:$0x3FAF] =	sst s1  }
0xa: {  	[smem:$0x3FB0] =	sst s2  }
0xb: {  	[smem:$0x3FB1] =	sst s3  }
0xc: {  	[smem:$0x3FB2] =	sst s4  }
0xd: {  	[smem:$0x3FB3] =	sst s5  }
0xe: {  	[smem:$0x3FB4] =	sst s6  }
0xf: {  	[smem:$0x3FB5] =	sst s7  }
0x10: {  	[smem:$0x3FB6] =	sst s8  }
0x11: {  	[smem:$0x3FB7] =	sst s9;
	s0 =	simm.s32 @!p0 $0x0  }
0x12: {  	s1 =	sld [smem:$0x3F9D];
	s0 =	simm.s32 @p0 $0x1  }
0x13: {  	[smem:$0x3FB8] =	sst s0;
	s0 =	simm.s32 @!p1 $0x0  }
0x14: {  	s2 =	sld [smem:$0x3F9C];
	s0 =	simm.s32 @p1 $0x1  }
0x15: {  	[smem:$0x3FB9] =	sst s0;
	s0 =	simm.s32 @!p2 $0x0  }
0x16: {  	s3 =	sld [smem:$0x3FDB];
	s0 =	simm.s32 @p2 $0x1  }
0x17: {  	s4 =	simm.s32 $0x1BF5;
	[smem:$0x3FBB] =	sst s0  }
0x18: {  	s0 =	sld [smem:$0x3F9E];
	_ =	swait.ge [sflag:s4], $0x0  }
0x19: {  	s7 =	sld [smem:$0x3F9F]  }
0x1a: {  	s8 =	sadd.s32 $0xFFFFE003, lr  }
0x1b: {  	s9 =	sadd.s32 $0xFFFFFEF7, lr;
	s5 =	simm.s32 $0xFFFFFFFF;
	p2 =	slt.u32 s8, $0xFFFFF086  }
0x1c: {  	p1 =	slt.u32 s9, $0xF7A;
	s5 =	simm.s32 @!p2 $0x0  }
0x1d: {  	s5 =	simm.s32 @p1 $0x1;
	p0 =	seq.s32 s7, s2  }
0x1e: {  	s7 =	smul.u32 @!p0 $0xF7A, s2;
	p2 =	seq.s32 @!p0 s5, $0x0  }
0x1f: {  	s9 =	smul.u32 $0xF7A, s1;
	s8 =	simm.s32 @!p0 $0x1BF5;
	p2 =	por !p2, p0  }
0x20: {  	[sflag:s8] =	ssyncset.s32 @!p0 $0xFFFFF086;
	s6 =	sadd.s32 @!p0 s3, s7;
	s7 =	simm.s32 @!p0 $0x108  }
0x21: {  	s3 =	sadd.s32 s3, s9;
	s6 =	sadd.s32 @!p0 $0x88, s6;
	s7 =	simm.s32 @p2 $0x1082  }
0x22: {  	[simem:s7], [sflag:s8] =	dma.local @!p0 [hbm:s6], $0xF7A  }
0x23: {  	s9 =	sor.u32 $0xD0000000, s2;
	s6 =	simm.s32 $0x108;
	_ =	swait.ge @!p0 [sflag:s8], $0x0  }
0x24: {  	s3 =	sadd.s32 $0x88, s3;
	s6 =	simm.s32 @!p1 $0x1082;
	[sflag:s4] =	ssyncset.s32 $0xFFFFF086  }
0x25: {  	[simem:s6], [sflag:s4] =	dma.local [hbm:s3], $0xF7A  }
0x26: {  	[smem:$0x3F9F] =	sst s1;
	(tag) =	ssettag s2;
	_ =	strace s9  }
0x27: {  	s1 =	sld [smem:$0x3FAF]  }
0x28: {  	s2 =	sld [smem:$0x3FB0]  }
0x29: {  	s4 =	sld [smem:$0x3FB2]  }
0x2a: {  	p0 =	seq.s32 s5, $0x0;
	s5 =	sld [smem:$0x3FB3]  }
0x2b: {  	s6 =	sld [smem:$0x3FB4]  }
0x2c: {  	s7 =	sld [smem:$0x3FB5]  }
0x2d: {  	s3 =	simm.s32 $0x108;
	s8 =	sld [smem:$0x3FB6]  }
0x2e: {  	s3 =	simm.s32 @!p0 $0x1082;
	s9 =	sld [smem:$0x3FB7]  }
0x2f: {  	lr =	sadd.s32 s0, s3;
	s0 =	sld [smem:$0x3FAE]  }
0x30: {  	s3 =	sld [smem:$0x3FB1]  }
0x31: {  	[smem:$0x3FBA] =	sst s10  }
0x32: {  	s10 =	sld [smem:$0x3FB8];
	_ =	sdelay $0x3  }
0x33: {  	p0 =	seq.s32 s10, $0x1;
	s10 =	sld [smem:$0x3FBA];
	_ =	sdelay $0x3  }
0x34: {  	[smem:$0x3FBA] =	sst s10  }
0x35: {  	s10 =	sld [smem:$0x3FB9];
	_ =	sdelay $0x3  }
0x36: {  	p1 =	seq.s32 s10, $0x1;
	s10 =	sld [smem:$0x3FBA];
	_ =	sdelay $0x3  }
0x37: {  	[smem:$0x3FBA] =	sst s10  }
0x38: {  	s10 =	sld [smem:$0x3FBB]  }
0x39: {  	_ = 	snop;
	(pc) =	sbr.ind lr, $3  }
0x3a: {  	_ = 	snop  }
0x3b: {  	_ = 	snop  }
0x3c: {  	p2 =	seq.s32 s10, $0x1;
	s10 =	sld [smem:$0x3FBA]  }
0x3d: {  	_ =	shalt  }
0x3e: {  	_ =	shalt  }
0x3f: {  	_ =	shalt  }
0x40: {  	_ =	shalt  }
0x41: {  	_ =	shalt  }
0x42: {  	_ =	shalt  }
0x43: {  	_ =	shalt  }
0x44: {  	_ =	shalt  }
0x45: {  	_ =	shalt  }
0x46: {  	_ =	shalt  }
0x47: {  	_ =	shalt  }
0x48: {  	_ =	shalt  }
0x49: {  	_ =	shalt  }
0x4a: {  	_ =	shalt  }
0x4b: {  	_ =	shalt  }
0x4c: {  	_ =	shalt  }
0x4d: {  	_ =	shalt  }
0x4e: {  	_ =	shalt  }
0x4f: {  	_ =	shalt  }
0x50: {  	_ =	shalt  }
0x51: {  	_ =	shalt  }
0x52: {  	_ =	shalt  }
0x53: {  	_ =	shalt  }
0x54: {  	_ =	shalt  }
0x55: {  	_ =	shalt  }
0x56: {  	_ =	shalt  }
0x57: {  	_ =	shalt  }
0x58: {  	_ =	shalt  }
0x59: {  	_ =	shalt  }
0x5a: {  	_ =	shalt  }
0x5b: {  	_ =	shalt  }
0x5c: {  	_ =	shalt  }
0x5d: {  	_ =	shalt  }
0x5e: {  	_ =	shalt  }
0x5f: {  	_ =	shalt  }
0x60: {  	_ =	shalt  }
0x61: {  	_ =	shalt  }
0x62: {  	_ =	shalt  }
0x63: {  	_ =	shalt  }
0x64: {  	_ =	shalt  }
0x65: {  	_ =	shalt  }
0x66: {  	_ =	shalt  }
0x67: {  	_ =	shalt  }
0x68: {  	_ =	shalt  }
0x69: {  	_ =	shalt  }
0x6a: {  	_ =	shalt  }
0x6b: {  	_ =	shalt  }
0x6c: {  	_ =	shalt  }
0x6d: {  	_ =	shalt  }
0x6e: {  	_ =	shalt  }
0x6f: {  	_ =	shalt  }
0x70: {  	_ =	shalt  }
0x71: {  	_ =	shalt  }
0x72: {  	_ =	shalt  }
0x73: {  	_ =	shalt  }
0x74: {  	_ =	shalt  }
0x75: {  	_ =	shalt  }
0x76: {  	_ =	shalt  }
0x77: {  	_ =	shalt  }
0x78: {  	_ =	shalt  }
0x79: {  	_ =	shalt  }
0x7a: {  	_ =	shalt  }
0x7b: {  	_ =	shalt  }
0x7c: {  	_ =	shalt  }
0x7d: {  	_ =	shalt  }
0x7e: {  	_ =	shalt  }
0x7f: {  	_ =	shalt  }
0x80: {  	_ =	shalt  }
0x81: {  	_ =	shalt  }
0x82: {  	_ =	shalt  }
0x83: {  	_ =	shalt  }
0x84: {  	_ =	shalt  }
0x85: {  	_ =	shalt  }
0x86: {  	_ =	shalt  }
0x87: {  	_ =	shalt  }
.Lfunc_end0:
.L_simem_size_0:
called_computation_lowered:
.L_overlay_start_0:
0x88: {  	s2 =	sld [smem:$0x3FD9]  }
0x89: {  	s3 =	sld [smem:$0x3FFE];
	_ =	sdelay $0x1  }
0x8a: {  	s1 =	srdreg.scid  }
0x8b: {  	s0 =	sand.u32 $0x1, s1  }
0x8c: {  	s15 =	sshll.u32 s0, $0xA;
	s2 =	sadd.s32 s3, s2  }
0x8d: {  	s2 =	sadd.s32 s2, s15  }
0x8e: {  	[smem:$0x3FC6] =	sst s2  }
0x8f: {  	_ = 	snop  }
0x90: {  	s2 =	sld [smem:$0x3FD0];
	_ =	sdelay $0x1  }
0x91: {  	s16 =	sld [smem:$0x3FC9]  }
0x92: {  	s5 =	simm.s32 $0xA;
	s6 =	simm.s32 $0x10;
	s4 =	sld [smem:$0x3FC8]  }
0x93: {  	[smem:s6], [sflag:s5] =	dma.local [hbm:s2], $0x1  }
0x94: {  	_ =	swait.eq [sflag:s5], $0x1  }
0x95: {  	[sflag:s5] =	ssyncset.done $0x0  }
0x96: {  	[sflag:s5] =	ssyncadd.s32 $0xFFFFFFFF  }
0x97: {  	s17 =	sld [smem:$0x11];
	(tm) =	ssettm $0x1  }
0x98: {  	s18 =	sld [smem:$0x3FFB];
	_ =	sdelay $0x3  }
0x99: {  	_ =	strace s18  }
0x9a: {  	s5 =	sld [smem:$0x3FFC];
	_ =	sdelay $0x3  }
0x9b: {  	_ =	strace s5  }
0x9c: {  	s5 =	sld [smem:$0x3FFD];
	_ =	sdelay $0x3  }
0x9d: {  	_ =	strace s5  }
0x9e: {  	_ =	strace $0x8FFFFFFF  }
0x9f: {  	s19 =	sld [smem:$0x3FDB];
	_ =	sdelay $0x1  }
0xa0: {  	s20 =	simm.s32 $_scs_section_size  }
0xa1: {  	s7 =	simm.s32 $_size__tile_overlayer_lowered;
	s8 =	simm.s32 $_tile_overlayer_lowered  }
0xa2: {  	s23 =	simm.s32 $0x1BFF;
	s22 =	sshll.u32 s8, $0x1;
	s5 =	sadd.s32 s20, s19  }
0xa3: {  	s9 =	simm.s32 $0x0;
	s21 =	sshll.u32 s7, $0x1;
	s7 =	sadd.s32 s22, s5  }
0xa4: {  	[timem:s9], [sflag:s23] =	dma.local [hbm:s7], s21  }
0xa5: {  	_ =	swait.ge [sflag:s23], s21  }
0xa6: {  	s6 =	ssub.s32 $0x0, s21;
	[sflag:s23] =	ssyncset.done $0x0  }
0xa7: {  	[sflag:s23] =	ssyncadd.s32 s6;
	_ =	sdelay $0x1  }
0xa8: {  	s24 =	simm.s32 $0x1B8B  }
0xa9: {  	_ =	swait.ge [sflag:s24], $0x1  }
0xaa: {  	[sflag:s24] =	ssyncset.done $0x0  }
0xab: {  	s25 =	simm.s32 $0x1B8E;
	[sflag:s24] =	ssyncadd.s32 $0xFFFFFFFF  }
0xac: {  	s26 =	simm.s32 $execute0_lowered;
	[smem:$0x3FD2] =	sst s25  }
0xad: {  	s6 =	sshll.u32 s26, $0x1;
	_ =	strace $0x80000046;
	[dreg:$0x1] =	wrdreg $0xFFFFFFFF  }
0xae: {  	s28 =	simm.s32 $_size_execute0_lowered;
	s5 =	sadd.s32 s5, s6;
	[dreg:$0x0] =	wrdreg $0x0  }
0xaf: {  	s6 =	sshll.u32 s28, $0x1;
	[dreg:$0x2] =	wrdreg s5  }
0xb0: {  	[dreg:$0x3] =	wrdreg s6  }
0xb1: {  	[dreg:$0x4] =	wrdreg $0xC0  }
0xb2: {  	_ =	task [dreg:s9], $0x5FFFF  }
0xb3: {  	[dreg:$0x1] =	wrdreg $0xFFFFFFFF  }
0xb4: {  	[dreg:$0x0] =	wrdreg $0x60  }
0xb5: {  	[dreg:$0x2] =	wrdreg s16  }
0xb6: {  	[dreg:$0x3] =	wrdreg s4  }
0xb7: {  	[dreg:$0x4] =	wrdreg s17  }
0xb8: {  	[dreg:$0x5] =	wrdreg $0x9  }
0xb9: {  	_ =	task.clear_ibuf [dreg:s9], $0x6FFFF;
	_ =	strace $0x90000046  }
0xba: {  	s29 =	simm.s32 $0x9;
	_ =	strace $0x80000048  }
0xbb: {  	_ =	swait.ge [sflag:s29], $0x1  }
0xbc: {  	[sflag:s29] =	ssyncadd.s32 $0xFFFFFFFF  }
0xbd: {  	_ =	strace $0x90000048  }
0xbe: {  	_ =	sfence  }
0xbf: {  	s30 =	sld [smem:$0x0];
	_ =	sdelay $0x2  }
0xc0: {  	s31 =	sshll.u32 s1, $0xD;
	s1 =	sshrl.u32 s1, $0x2  }
0xc1: {  	s3 =	sand.u32 $0x4000, s31;
	s1 =	sadd.s32 s1, s30  }
0xc2: {  	s0 =	sor.u32 s3, s0;
	s1 =	sshll.u32 s1, $0x11  }
0xc3: {  	s0 =	sor.u32 s1, s0  }
0xc4: {  	s0 =	sadd.s32 $0x8F2B, s0  }
0xc5: {  	[sflag:s0] =	ssyncadd.remote.s32 $0x1  }
0xc6: {  	_ =	sfence.sel $0xFFFF  }
0xc7: {  	[dreg:$0x0] =	wrdreg $0xFFFFFFFF;
	(pc) =	sbr.abs _section_cstart, $3  }
0xc8: {  	[dreg:$0x1] =	wrdreg $0xFFFFFFFF  }
0xc9: {  	_ =	task.clear_ibuf [dreg:s9], $0x2FFFF;
	_ =	strace $0x9FFFFFFF  }
0xca: {  	(tm) =	ssettm $0x7FFFFFFF  }
0xcb: {  	_ =	shalt  }
tec
execute0_lowered:
.L_overlay_start_1:
0x0: {  	(tag) =	ssettag $0x1  }
0x1: {  	s0 =	srdreg.scid;
	s1 =	stileid.u32  }
0x2: {  	s0 =	sand.u32 $0x1, s0;
	s2 =	sshll.u32 s1, $0x1  }
0x3: {  	s2 =	sor.u32 s0, s2  }
0x4: {  	v4 =	vlaneseq.u32;
	s3 =	sshll.u32 s2, $0x5  }
0x5: {  	s6 =	rddreg [dreg:$0x1];
	v0 =	vadd.s32 $0x1, v4;
	s13 =	smin.u32 s3, $0x3C8  }
0x6: {  	s11 =	rddreg [dreg:$0x2];
	s4 =	simm.s32 $0x0;
	v1 =	vadd.s32 s13, v0;
	s15 =	sor.u32 $0x10, s13  }
0x7: {  	[smem:$0x7FF] =	sst s4;
	v1 =	vcvt.s32.f32 v1;
	v0 =	vadd.s32 s15, v0  }
0x8: {  	s1 =	rddreg [dreg:$0x0];
	_ =	strace $0x80000047;
	v0 =	vcvt.s32.f32 v0  }
0x9: {  	(erf) = vrcp.f32 v1  }
0xa: {  	(erf) = vrcp.f32 v0  }
0xb: {  	s14 =	simm.s32 $0x2;
	s22 =	simm.s32 $0xB800  }
0xc: {  	s23 =	simm.s32 $0xC000;
	s24 =	simm.s32 $0xC800;
	s25 =	simm.s32 $0xD000  }
0xd: {  	s28 =	simm.s32 $0xE000;
	s29 =	simm.s32 $0xE800;
	s30 =	simm.s32 $0xF000  }
0xe: {  	s31 =	simm.s32 $0xF800;
	s0 =	ssub.s32 $0x2, s0;
	s7 =	sadd.s32 $0x200, s1  }
0xf: {  	v3 =	vshrl.u32 v4, $0x3;
	s8 =	sadd.s32 $0x300, s1;
	s5 =	sshrl.u32 s0, $0x1;
	s10 =	sshll.u32 s2, $0x1  }
0x10: {  	v2 =	vand.u32 $0x7, v4;
	v3 =	vmul.u32 $0x8, v3;
	p0 =	sne.s32 s2, $0x0;
	s2 =	simm.s32 $0x1;
	s16 =	sadd.s32 $0x20, s13;
	v0 =	vadd.s32 s13, v4  }
0x11: {  	s0 =	ssub.s32 s0, s5;
	s10 =	sadd.s32 s11, s10;
	s11 =	sadd.s32 $0x40, s11;
	vm0 =	vge.u32 v0, s3;
	vm1 =	vlt.u32 v0, s16;
	v0 =	vadd.s32 s15, v4  }
0x12: {  	s26 =	sshrl.u32 s13, $0x3;
	s9 =	sshll.u32 s13, $0x7;
	s12 =	smax.u32 s0, $0x1;
	vm0 =	vmand vm0, vm1;
	vm1 =	vge.u32 v0, s3;
	vm2 =	vlt.u32 v0, s16;
	v1 =	vpop (erf)  }
0x13: {  	s0 =	simm.s32 $0x10180;
	s5 =	sadd.s32 s6, s26;
	s6 =	sadd.s32 $0x100, s1;
	v4 =	vor.u32 $0x8, v4;
	v0 =	vnsel vm0, $0x0, v1;
	vm0 =	vmand vm1, vm2;
	v1 =	vpop (erf)  }
0x14: {  	s9 =	sadd.s32 s1, s9;
	s26 =	simm.s32 $0xD800;
	s13 =	simm.s32 $0x0;
	vm1 =	vmmov @!p0 $0xf;
	v1 =	vnsel vm0, $0x0, v1;
	vm0 =	vmmov $0xffff  }
.LBB2_1:
0x15: {  	s3 =	simm.s32 $0x10000  }
0x16: {  	[tilespmem:s3], [sflag:$0x2] =	stream.linear.gather [hbm4b:s5+s4], $0x20, $0x38;
	[tilespmem:$0x10280] =	vst v63  }
0x17: {  	_ =	swait.ge [sflag:s14], $0x20  }
0x18: {  	[sflag:s14] =	ssyncset.done $0x0  }
0x19: {  	[sflag:s14] =	ssyncadd.s32 $0xFFFFFFE0  }
0x1a: {  	v5 =	vld [tilespmem:$0x10000];
	_ =	sdelay $0x4  }
0x1b: {  	v6 =	vshll.u32 v5, $0x3  }
0x1c: {  	v5 =	vand.u32 $0x7, v5;
	v6 =	vand.u32 $0xFFFFFFC0, v6  }
0x1d: {  	v5 =	vor.u32 v5, v6  }
0x1e: {  	v6 =	vperm.xlane v5, v2;
	_ =	sdelay $0x1  }
0x1f: {  	v6 =	vadd.s32 v3, v6;
	_ =	sdelay $0x3  }
0x20: {  	s18 =	simm.s32 $0x8000  }
0x21: {  	[tilespmem:s18], [sflag:$0x1] =	stream.indirect_vreg.gather [hbm4b:s1+s4], $0x80, v6, vm0, $0xb8;
	[tilespmem:$0x10280] =	vst v63  }
0x22: {  	s19 =	simm.s32 $0x8800;
	v5 =	vperm.xlane v5, v4  }
0x23: {  	[tilespmem:s19], [sflag:$0x1] =	stream.indirect_vreg.gather [hbm4b:s6+s4], $0x80, v6, vm0, $0xb8;
	[tilespmem:$0x10280] =	vst v63  }
0x24: {  	s20 =	simm.s32 $0x9000;
	v5 =	vadd.s32 v3, v5  }
0x25: {  	[tilespmem:s20], [sflag:$0x1] =	stream.indirect_vreg.gather [hbm4b:s7+s4], $0x80, v6, vm0, $0xb8;
	[tilespmem:$0x10280] =	vst v63  }
0x26: {  	s21 =	simm.s32 $0x9800  }
0x27: {  	[tilespmem:s21], [sflag:$0x1] =	stream.indirect_vreg.gather [hbm4b:s8+s4], $0x80, v6, vm0, $0xb8;
	[tilespmem:$0x10280] =	vst v63  }
0x28: {  	s15 =	simm.s32 $0xA000  }
0x29: {  	[tilespmem:s15], [sflag:$0x1] =	stream.indirect_vreg.gather [hbm4b:s1+s4], $0x80, v5, vm0, $0xb8;
	[tilespmem:$0x10280] =	vst v63  }
0x2a: {  	s16 =	simm.s32 $0xA800  }
0x2b: {  	[tilespmem:s16], [sflag:$0x1] =	stream.indirect_vreg.gather [hbm4b:s6+s4], $0x80, v5, vm0, $0xb8;
	[tilespmem:$0x10280] =	vst v63  }
0x2c: {  	s17 =	simm.s32 $0xB000  }
0x2d: {  	[tilespmem:s17], [sflag:$0x1] =	stream.indirect_vreg.gather [hbm4b:s7+s4], $0x80, v5, vm0, $0xb8;
	[tilespmem:$0x10280] =	vst v63  }
0x2e: {  	_ = 	snop  }
0x2f: {  	[tilespmem:s22], [sflag:$0x1] =	stream.indirect_vreg.gather [hbm4b:s8+s4], $0x80, v5, vm0, $0xb8;
	[tilespmem:$0x10280] =	vst v63  }
0x30: {  	v5 =	vld [tilespmem:$0x10010];
	_ =	sdelay $0x4  }
0x31: {  	v6 =	vshll.u32 v5, $0x3  }
0x32: {  	v5 =	vand.u32 $0x7, v5;
	v6 =	vand.u32 $0xFFFFFFC0, v6  }
0x33: {  	v5 =	vor.u32 v5, v6  }
0x34: {  	v6 =	vperm.xlane v5, v2;
	_ =	sdelay $0x1  }
0x35: {  	v6 =	vadd.s32 v3, v6;
	_ =	sdelay $0x4  }
0x36: {  	[tilespmem:s23], [sflag:$0x1] =	stream.indirect_vreg.gather [hbm4b:s1+s4], $0x80, v6, vm0, $0xb8;
	[tilespmem:$0x10280] =	vst v63  }
0x37: {  	v5 =	vperm.xlane v5, v4  }
0x38: {  	[tilespmem:s24], [sflag:$0x1] =	stream.indirect_vreg.gather [hbm4b:s6+s4], $0x80, v6, vm0, $0xb8;
	[tilespmem:$0x10280] =	vst v63  }
0x39: {  	v5 =	vadd.s32 v3, v5  }
0x3a: {  	[tilespmem:s25], [sflag:$0x1] =	stream.indirect_vreg.gather [hbm4b:s7+s4], $0x80, v6, vm0, $0xb8;
	[tilespmem:$0x10280] =	vst v63  }
0x3b: {  	_ = 	snop  }
0x3c: {  	[tilespmem:s26], [sflag:$0x1] =	stream.indirect_vreg.gather [hbm4b:s8+s4], $0x80, v6, vm0, $0xb8;
	[tilespmem:$0x10280] =	vst v63  }
0x3d: {  	_ = 	snop  }
0x3e: {  	[tilespmem:s28], [sflag:$0x1] =	stream.indirect_vreg.gather [hbm4b:s1+s4], $0x80, v5, vm0, $0xb8;
	[tilespmem:$0x10280] =	vst v63  }
0x3f: {  	_ = 	snop  }
0x40: {  	[tilespmem:s29], [sflag:$0x1] =	stream.indirect_vreg.gather [hbm4b:s6+s4], $0x80, v5, vm0, $0xb8;
	[tilespmem:$0x10280] =	vst v63  }
0x41: {  	_ = 	snop  }
0x42: {  	[tilespmem:s30], [sflag:$0x1] =	stream.indirect_vreg.gather [hbm4b:s7+s4], $0x80, v5, vm0, $0xb8;
	[tilespmem:$0x10280] =	vst v63  }
0x43: {  	_ = 	snop  }
0x44: {  	[tilespmem:s31], [sflag:$0x1] =	stream.indirect_vreg.gather [hbm4b:s8+s4], $0x80, v5, vm0, $0xb8;
	[tilespmem:$0x10280] =	vst v63  }
0x45: {  	_ = 	snop  }
0x46: {  	[tilespmem:s4], [sflag:$0x2] =	stream.linear.gather [hbm4b:s9+s4], $0x8000, $0x38;
	[tilespmem:$0x10280] =	vst v63  }
0x47: {  	_ =	swait.ge [sflag:s14], $0x8000  }
0x48: {  	[sflag:s14] =	ssyncset.done $0x0  }
0x49: {  	[sflag:s14] =	ssyncadd.s32 $0xFFFF8000  }
0x4a: {  	[tilespmem:$0x10100] =	vst v0  }
0x4b: {  	v5 =	vimm.f32 $0.0e+00;
	[tilespmem:$0x10110] =	vst v1  }
0x4c: {  	[tilespmem:$0x10120] =	vst v5  }
0x4d: {  	s18 =	simm.s32 $0x0;
	_ =	swait.ge [sflag:s2], $0x8000  }
0x4e: {  	s3 =	sand.u32 $0x6000, s18;
	s15 =	sand.u32 $0x380, s4;
	[sflag:s2] =	ssyncset.done $0x0  }
0x4f: {  	s3 =	sor.u32 s15, s3;
	[sflag:s2] =	ssyncadd.s32 $0xFFFF8000  }
0x50: {  	v6 =	vld [tilespmem:s3+$0x0]  }
0x51: {  	v7 =	vld [tilespmem:s3+$0x8000]  }
0x52: {  	v8 =	vld [tilespmem:s3+$0x10]  }
0x53: {  	v9 =	vld [tilespmem:s3+$0x8010]  }
0x54: {  	v10 =	vld [tilespmem:s3+$0x20]  }
0x55: {  	v11 =	vld [tilespmem:s3+$0x8020]  }
0x56: {  	v12 =	vld [tilespmem:s3+$0x30];
	v6 =	vmul.f32 v7, v6  }
0x57: {  	v7 =	vld [tilespmem:s3+$0x8030]  }
0x58: {  	v13 =	vld [tilespmem:s3+$0x40];
	v8 =	vmul.f32 v9, v8;
	v6 =	vadd.f32 $0.0e+00, v6  }
0x59: {  	v9 =	vld [tilespmem:s3+$0x8040]  }
0x5a: {  	v14 =	vld [tilespmem:s3+$0x50];
	v6 =	vadd.f32 v8, v6;
	v8 =	vmul.f32 v11, v10  }
0x5b: {  	v10 =	vld [tilespmem:s3+$0x8050]  }
0x5c: {  	v11 =	vld [tilespmem:s3+$0x60];
	v7 =	vmul.f32 v7, v12;
	v6 =	vadd.f32 v8, v6  }
0x5d: {  	v8 =	vld [tilespmem:s3+$0x8060]  }
0x5e: {  	v12 =	vld [tilespmem:s3+$0x70];
	v6 =	vadd.f32 v7, v6;
	v7 =	vmul.f32 v9, v13  }
0x5f: {  	v9 =	vld [tilespmem:s3+$0x8070]  }
0x60: {  	v13 =	vld [tilespmem:s3+$0x400];
	v6 =	vadd.f32 v7, v6;
	v7 =	vmul.f32 v10, v14  }
0x61: {  	v10 =	vld [tilespmem:s3+$0x8400]  }
0x62: {  	v14 =	vld [tilespmem:s3+$0x410];
	v6 =	vadd.f32 v7, v6;
	v7 =	vmul.f32 v8, v11  }
0x63: {  	v8 =	vld [tilespmem:s3+$0x8410]  }
0x64: {  	v11 =	vld [tilespmem:s3+$0x420];
	v6 =	vadd.f32 v7, v6;
	v7 =	vmul.f32 v9, v12  }
0x65: {  	v9 =	vld [tilespmem:s3+$0x8420]  }
0x66: {  	v12 =	vld [tilespmem:s3+$0x430];
	v6 =	vadd.f32 v7, v6;
	v7 =	vmul.f32 v10, v13  }
0x67: {  	v10 =	vld [tilespmem:s3+$0x8430]  }
0x68: {  	v13 =	vld [tilespmem:s3+$0x440];
	v6 =	vadd.f32 v7, v6;
	v7 =	vmul.f32 v8, v14  }
0x69: {  	v8 =	vld [tilespmem:s3+$0x8440]  }
0x6a: {  	v14 =	vld [tilespmem:s3+$0x450];
	v6 =	vadd.f32 v7, v6;
	v7 =	vmul.f32 v9, v11  }
0x6b: {  	v9 =	vld [tilespmem:s3+$0x8450]  }
0x6c: {  	v11 =	vld [tilespmem:s3+$0x460];
	v6 =	vadd.f32 v7, v6;
	v7 =	vmul.f32 v10, v12  }
0x6d: {  	v10 =	vld [tilespmem:s3+$0x8460]  }
0x6e: {  	v12 =	vld [tilespmem:s3+$0x470];
	v6 =	vadd.f32 v7, v6;
	v7 =	vmul.f32 v8, v13  }
0x6f: {  	v8 =	vld [tilespmem:s3+$0x8470]  }
0x70: {  	v13 =	vld [tilespmem:s3+$0x800];
	v6 =	vadd.f32 v7, v6;
	v7 =	vmul.f32 v9, v14  }
0x71: {  	v9 =	vld [tilespmem:s3+$0x8800]  }
0x72: {  	v14 =	vld [tilespmem:s3+$0x810];
	v6 =	vadd.f32 v7, v6;
	v7 =	vmul.f32 v10, v11  }
0x73: {  	v10 =	vld [tilespmem:s3+$0x8810]  }
0x74: {  	v11 =	vld [tilespmem:s3+$0x820];
	v6 =	vadd.f32 v7, v6;
	v7 =	vmul.f32 v8, v12  }
0x75: {  	v8 =	vld [tilespmem:s3+$0x8820]  }
0x76: {  	v12 =	vld [tilespmem:s3+$0x830];
	v6 =	vadd.f32 v7, v6;
	v7 =	vmul.f32 v9, v13  }
0x77: {  	v9 =	vld [tilespmem:s3+$0x8830]  }
0x78: {  	v13 =	vld [tilespmem:s3+$0x840];
	v6 =	vadd.f32 v7, v6;
	v7 =	vmul.f32 v10, v14  }
0x79: {  	v10 =	vld [tilespmem:s3+$0x8840]  }
0x7a: {  	v14 =	vld [tilespmem:s3+$0x850];
	v6 =	vadd.f32 v7, v6;
	v7 =	vmul.f32 v8, v11  }
0x7b: {  	v8 =	vld [tilespmem:s3+$0x8850]  }
0x7c: {  	v11 =	vld [tilespmem:s3+$0x860];
	v6 =	vadd.f32 v7, v6;
	v7 =	vmul.f32 v9, v12  }
0x7d: {  	v9 =	vld [tilespmem:s3+$0x8860]  }
0x7e: {  	v12 =	vld [tilespmem:s3+$0x870];
	v6 =	vadd.f32 v7, v6;
	v7 =	vmul.f32 v10, v13  }
0x7f: {  	v10 =	vld [tilespmem:s3+$0x8870]  }
0x80: {  	v13 =	vld [tilespmem:s3+$0xC00];
	v6 =	vadd.f32 v7, v6;
	v7 =	vmul.f32 v8, v14  }
0x81: {  	v8 =	vld [tilespmem:s3+$0x8C00]  }
0x82: {  	v14 =	vld [tilespmem:s3+$0xC10];
	v6 =	vadd.f32 v7, v6;
	v7 =	vmul.f32 v9, v11  }
0x83: {  	v9 =	vld [tilespmem:s3+$0x8C10]  }
0x84: {  	v11 =	vld [tilespmem:s3+$0xC20];
	v6 =	vadd.f32 v7, v6;
	v7 =	vmul.f32 v10, v12  }
0x85: {  	v10 =	vld [tilespmem:s3+$0x8C20]  }
0x86: {  	v12 =	vld [tilespmem:s3+$0xC30];
	v6 =	vadd.f32 v7, v6;
	v7 =	vmul.f32 v8, v13  }
0x87: {  	v8 =	vld [tilespmem:s3+$0x8C30]  }
0x88: {  	v13 =	vld [tilespmem:s3+$0xC40];
	v6 =	vadd.f32 v7, v6;
	v7 =	vmul.f32 v9, v14  }
0x89: {  	v9 =	vld [tilespmem:s3+$0x8C40]  }
0x8a: {  	v14 =	vld [tilespmem:s3+$0xC50];
	v6 =	vadd.f32 v7, v6;
	v7 =	vmul.f32 v10, v11  }
0x8b: {  	v10 =	vld [tilespmem:s3+$0x8C50]  }
0x8c: {  	v11 =	vld [tilespmem:s3+$0xC60];
	v6 =	vadd.f32 v7, v6;
	v7 =	vmul.f32 v8, v12  }
0x8d: {  	v8 =	vld [tilespmem:s3+$0x8C60]  }
0x8e: {  	v12 =	vld [tilespmem:s3+$0xC70];
	v6 =	vadd.f32 v7, v6;
	v7 =	vmul.f32 v9, v13  }
0x8f: {  	v9 =	vld [tilespmem:s3+$0x8C70]  }
0x90: {  	v13 =	vld [tilespmem:s3+$0x1000];
	v6 =	vadd.f32 v7, v6;
	v7 =	vmul.f32 v10, v14  }
0x91: {  	v10 =	vld [tilespmem:s3+$0x9000]  }
0x92: {  	v14 =	vld [tilespmem:s3+$0x1010];
	v6 =	vadd.f32 v7, v6;
	v7 =	vmul.f32 v8, v11  }
0x93: {  	v8 =	vld [tilespmem:s3+$0x9010]  }
0x94: {  	v11 =	vld [tilespmem:s3+$0x1020];
	v6 =	vadd.f32 v7, v6;
	v7 =	vmul.f32 v9, v12  }
0x95: {  	v9 =	vld [tilespmem:s3+$0x9020]  }
0x96: {  	v12 =	vld [tilespmem:s3+$0x1030];
	v6 =	vadd.f32 v7, v6;
	v7 =	vmul.f32 v10, v13  }
0x97: {  	v10 =	vld [tilespmem:s3+$0x9030]  }
0x98: {  	v13 =	vld [tilespmem:s3+$0x1040];
	v6 =	vadd.f32 v7, v6;
	v7 =	vmul.f32 v8, v14  }
0x99: {  	v8 =	vld [tilespmem:s3+$0x9040]  }
0x9a: {  	v14 =	vld [tilespmem:s3+$0x1050];
	v6 =	vadd.f32 v7, v6;
	v7 =	vmul.f32 v9, v11  }
0x9b: {  	v9 =	vld [tilespmem:s3+$0x9050]  }
0x9c: {  	v11 =	vld [tilespmem:s3+$0x1060];
	v6 =	vadd.f32 v7, v6;
	v7 =	vmul.f32 v10, v12  }
0x9d: {  	v10 =	vld [tilespmem:s3+$0x9060]  }
0x9e: {  	v12 =	vld [tilespmem:s3+$0x1070];
	v6 =	vadd.f32 v7, v6;
	v7 =	vmul.f32 v8, v13  }
0x9f: {  	v8 =	vld [tilespmem:s3+$0x9070]  }
0xa0: {  	v13 =	vld [tilespmem:s3+$0x1400];
	v6 =	vadd.f32 v7, v6;
	v7 =	vmul.f32 v9, v14  }
0xa1: {  	v9 =	vld [tilespmem:s3+$0x9400]  }
0xa2: {  	v14 =	vld [tilespmem:s3+$0x1410];
	v6 =	vadd.f32 v7, v6;
	v7 =	vmul.f32 v10, v11  }
0xa3: {  	v10 =	vld [tilespmem:s3+$0x9410]  }
0xa4: {  	v11 =	vld [tilespmem:s3+$0x1420];
	v6 =	vadd.f32 v7, v6;
	v7 =	vmul.f32 v8, v12  }
0xa5: {  	v8 =	vld [tilespmem:s3+$0x9420]  }
0xa6: {  	v12 =	vld [tilespmem:s3+$0x1430];
	v6 =	vadd.f32 v7, v6;
	v7 =	vmul.f32 v9, v13  }
0xa7: {  	v9 =	vld [tilespmem:s3+$0x9430]  }
0xa8: {  	v13 =	vld [tilespmem:s3+$0x1440];
	v6 =	vadd.f32 v7, v6;
	v7 =	vmul.f32 v10, v14  }
0xa9: {  	v10 =	vld [tilespmem:s3+$0x9440]  }
0xaa: {  	v14 =	vld [tilespmem:s3+$0x1450];
	v6 =	vadd.f32 v7, v6;
	v7 =	vmul.f32 v8, v11  }
0xab: {  	v8 =	vld [tilespmem:s3+$0x9450]  }
0xac: {  	v11 =	vld [tilespmem:s3+$0x1460];
	v6 =	vadd.f32 v7, v6;
	v7 =	vmul.f32 v9, v12  }
0xad: {  	v9 =	vld [tilespmem:s3+$0x9460]  }
0xae: {  	v12 =	vld [tilespmem:s3+$0x1470];
	v6 =	vadd.f32 v7, v6;
	v7 =	vmul.f32 v10, v13  }
0xaf: {  	v10 =	vld [tilespmem:s3+$0x9470]  }
0xb0: {  	v13 =	vld [tilespmem:s3+$0x1800];
	v6 =	vadd.f32 v7, v6;
	v7 =	vmul.f32 v8, v14  }
0xb1: {  	v8 =	vld [tilespmem:s3+$0x9800]  }
0xb2: {  	v14 =	vld [tilespmem:s3+$0x1810];
	v6 =	vadd.f32 v7, v6;
	v7 =	vmul.f32 v9, v11  }
0xb3: {  	v9 =	vld [tilespmem:s3+$0x9810]  }
0xb4: {  	v11 =	vld [tilespmem:s3+$0x1820];
	v6 =	vadd.f32 v7, v6;
	v7 =	vmul.f32 v10, v12  }
0xb5: {  	v10 =	vld [tilespmem:s3+$0x9820]  }
0xb6: {  	v12 =	vld [tilespmem:s3+$0x1830];
	v6 =	vadd.f32 v7, v6;
	v7 =	vmul.f32 v8, v13  }
0xb7: {  	v8 =	vld [tilespmem:s3+$0x9830]  }
0xb8: {  	v13 =	vld [tilespmem:s3+$0x1840];
	v6 =	vadd.f32 v7, v6;
	v7 =	vmul.f32 v9, v14  }
0xb9: {  	v9 =	vld [tilespmem:s3+$0x9840]  }
0xba: {  	v14 =	vld [tilespmem:s3+$0x1850];
	v6 =	vadd.f32 v7, v6;
	v7 =	vmul.f32 v10, v11  }
0xbb: {  	v10 =	vld [tilespmem:s3+$0x9850]  }
0xbc: {  	s19 =	sand.u32 $0x7, s4;
	v11 =	vld [tilespmem:s3+$0x1860];
	v6 =	vadd.f32 v7, v6;
	v7 =	vmul.f32 v8, v12  }
0xbd: {  	s15 =	sshll.u32 s19, $0x7;
	v8 =	vld [tilespmem:s3+$0x9860]  }
0xbe: {  	s16 =	sadd.s32 $0x0, s15;
	v12 =	vld [tilespmem:s3+$0x1870];
	v6 =	vadd.f32 v7, v6;
	v7 =	vmul.f32 v9, v13  }
0xbf: {  	s20 =	sor.u32 $0x1C00, s16;
	v9 =	vld [tilespmem:s3+$0x9870]  }
0xc0: {  	v13 =	vld [tilespmem:s20+$0x0];
	v6 =	vadd.f32 v7, v6;
	v7 =	vmul.f32 v10, v14  }
0xc1: {  	s21 =	sor.u32 $0x1C10, s16;
	v10 =	vld [tilespmem:s20+$0x8000]  }
0xc2: {  	v14 =	vld [tilespmem:s21+$0x0];
	v6 =	vadd.f32 v7, v6;
	v7 =	vmul.f32 v8, v11  }
0xc3: {  	s15 =	sor.u32 $0x1C20, s16;
	v8 =	vld [tilespmem:s21+$0x8000]  }
0xc4: {  	v11 =	vld [tilespmem:s15+$0x0];
	v6 =	vadd.f32 v7, v6;
	v7 =	vmul.f32 v9, v12  }
0xc5: {  	s17 =	sor.u32 $0x1C30, s16;
	v9 =	vld [tilespmem:s15+$0x8000]  }
0xc6: {  	v12 =	vld [tilespmem:s17+$0x0];
	v6 =	vadd.f32 v7, v6;
	v7 =	vmul.f32 v10, v13  }
0xc7: {  	s18 =	sor.u32 $0x1C40, s16;
	v10 =	vld [tilespmem:s17+$0x8000]  }
0xc8: {  	v13 =	vld [tilespmem:s18+$0x0];
	v8 =	vmul.f32 v8, v14;
	v6 =	vadd.f32 v7, v6  }
0xc9: {  	s19 =	sor.u32 $0x1C50, s16;
	v14 =	vld [tilespmem:s18+$0x8000]  }
0xca: {  	v7 =	vld [tilespmem:s19+$0x0];
	v11 =	vmul.f32 v9, v11;
	v8 =	vadd.f32 v8, v6  }
0xcb: {  	s20 =	sor.u32 $0x1C60, s16;
	v9 =	vld [tilespmem:s19+$0x8000]  }
0xcc: {  	s3 =	sor.u32 $0x1C70, s16;
	v6 =	vld [tilespmem:s20+$0x0];
	v12 =	vmul.f32 v10, v12;
	v11 =	vadd.f32 v11, v8  }
0xcd: {  	s16 =	simm.s32 $0x0;
	s21 =	simm.s32 $0x400;
	s15 =	simm.s32 $0x10100;
	v10 =	vld [tilespmem:s20+$0x8000]  }
0xce: {  	s17 =	simm.s32 $0xFFFF8400;
	s18 =	simm.s32 $0x80;
	s19 =	sand.u32 $0x6000, s21;
	v8 =	vld [tilespmem:s3+$0x0];
	v13 =	vmul.f32 v14, v13;
	v12 =	vadd.f32 v12, v11  }
0xcf: {  	s20 =	sand.u32 $0x380, s18;
	s18 =	simm.s32 $0x100;
	v11 =	vld [tilespmem:s3+$0x8000];
	s3 =	simm.s32 $0x0  }
.LBB2_2:
0xd0: {  	p1 =	sne.s32 s18, $0xF80;
	s19 =	sor.u32 s20, s19;
	v12 =	vadd.f32 v13, v12;
	v7 =	vmul.f32 v9, v7;
	v9 =	vld.msk [tilespmem:s15+$0x0 ss:$0x0], $0xffff  }
0xd1: {  	v13 =	vld [tilespmem:s19+$0x0]  }
0xd2: {  	v14 =	vld [tilespmem:s19+$0x8000];
	v7 =	vadd.f32 v7, v12;
	v6 =	vmul.f32 v10, v6  }
0xd3: {  	v10 =	vld [tilespmem:s19+$0x10]  }
0xd4: {  	v12 =	vld [tilespmem:s19+$0x8010];
	v6 =	vadd.f32 v6, v7;
	v7 =	vmul.f32 v11, v8  }
0xd5: {  	v8 =	vld [tilespmem:s19+$0x20]  }
0xd6: {  	v11 =	vld [tilespmem:s19+$0x8020];
	v6 =	vadd.f32 v7, v6  }
0xd7: {  	v7 =	vmul.f32 v14, v13;
	v13 =	vld [tilespmem:s19+$0x30]  }
0xd8: {  	v14 =	vld [tilespmem:s19+$0x8030];
	v6 =	vmul.f32 v6, v9  }
0xd9: {  	v7 =	vadd.f32 $0.0e+00, v7;
	v9 =	vmul.f32 v12, v10;
	v10 =	vld [tilespmem:s19+$0x40]  }
0xda: {  	v12 =	vld [tilespmem:s19+$0x8040];
	v5 =	vadd.f32 v6, v5  }
0xdb: {  	v6 =	vadd.f32 v9, v7;
	v7 =	vmul.f32 v11, v8;
	v8 =	vld [tilespmem:s19+$0x50]  }
0xdc: {  	v9 =	vld [tilespmem:s19+$0x8050]  }
0xdd: {  	v6 =	vadd.f32 v7, v6;
	v7 =	vmul.f32 v14, v13;
	v11 =	vld [tilespmem:s19+$0x60]  }
0xde: {  	v13 =	vld [tilespmem:s19+$0x8060]  }
0xdf: {  	v6 =	vadd.f32 v7, v6;
	v7 =	vmul.f32 v12, v10;
	v10 =	vld [tilespmem:s19+$0x70]  }
0xe0: {  	v12 =	vld [tilespmem:s19+$0x8070]  }
0xe1: {  	v6 =	vadd.f32 v7, v6;
	v7 =	vmul.f32 v9, v8;
	v8 =	vld [tilespmem:s19+$0x400]  }
0xe2: {  	v9 =	vld [tilespmem:s19+$0x8400]  }
0xe3: {  	v6 =	vadd.f32 v7, v6;
	v7 =	vmul.f32 v13, v11;
	v11 =	vld [tilespmem:s19+$0x410]  }
0xe4: {  	v13 =	vld [tilespmem:s19+$0x8410]  }
0xe5: {  	v6 =	vadd.f32 v7, v6;
	v7 =	vmul.f32 v12, v10;
	v10 =	vld [tilespmem:s19+$0x420]  }
0xe6: {  	v12 =	vld [tilespmem:s19+$0x8420]  }
0xe7: {  	v6 =	vadd.f32 v7, v6;
	v7 =	vmul.f32 v9, v8;
	v8 =	vld [tilespmem:s19+$0x430]  }
0xe8: {  	v9 =	vld [tilespmem:s19+$0x8430]  }
0xe9: {  	v6 =	vadd.f32 v7, v6;
	v7 =	vmul.f32 v13, v11;
	v11 =	vld [tilespmem:s19+$0x440]  }
0xea: {  	v13 =	vld [tilespmem:s19+$0x8440]  }
0xeb: {  	v6 =	vadd.f32 v7, v6;
	v7 =	vmul.f32 v12, v10;
	v10 =	vld [tilespmem:s19+$0x450]  }
0xec: {  	v12 =	vld [tilespmem:s19+$0x8450]  }
0xed: {  	v6 =	vadd.f32 v7, v6;
	v7 =	vmul.f32 v9, v8;
	v8 =	vld [tilespmem:s19+$0x460]  }
0xee: {  	v9 =	vld [tilespmem:s19+$0x8460]  }
0xef: {  	v6 =	vadd.f32 v7, v6;
	v7 =	vmul.f32 v13, v11;
	v11 =	vld [tilespmem:s19+$0x470]  }
0xf0: {  	v13 =	vld [tilespmem:s19+$0x8470]  }
0xf1: {  	v6 =	vadd.f32 v7, v6;
	v7 =	vmul.f32 v12, v10;
	v10 =	vld [tilespmem:s19+$0x800]  }
0xf2: {  	v12 =	vld [tilespmem:s19+$0x8800]  }
0xf3: {  	v6 =	vadd.f32 v7, v6;
	v7 =	vmul.f32 v9, v8;
	v8 =	vld [tilespmem:s19+$0x810]  }
0xf4: {  	v9 =	vld [tilespmem:s19+$0x8810]  }
0xf5: {  	v6 =	vadd.f32 v7, v6;
	v7 =	vmul.f32 v13, v11;
	v11 =	vld [tilespmem:s19+$0x820]  }
0xf6: {  	v13 =	vld [tilespmem:s19+$0x8820]  }
0xf7: {  	v6 =	vadd.f32 v7, v6;
	v7 =	vmul.f32 v12, v10;
	v10 =	vld [tilespmem:s19+$0x830]  }
0xf8: {  	v12 =	vld [tilespmem:s19+$0x8830]  }
0xf9: {  	v6 =	vadd.f32 v7, v6;
	v7 =	vmul.f32 v9, v8;
	v8 =	vld [tilespmem:s19+$0x840]  }
0xfa: {  	v9 =	vld [tilespmem:s19+$0x8840]  }
0xfb: {  	v6 =	vadd.f32 v7, v6;
	v7 =	vmul.f32 v13, v11;
	v11 =	vld [tilespmem:s19+$0x850]  }
0xfc: {  	v13 =	vld [tilespmem:s19+$0x8850]  }
0xfd: {  	v6 =	vadd.f32 v7, v6;
	v7 =	vmul.f32 v12, v10;
	v10 =	vld [tilespmem:s19+$0x860]  }
0xfe: {  	v12 =	vld [tilespmem:s19+$0x8860]  }
0xff: {  	v6 =	vadd.f32 v7, v6;
	v7 =	vmul.f32 v9, v8;
	v8 =	vld [tilespmem:s19+$0x870]  }
0x100: {  	v9 =	vld [tilespmem:s19+$0x8870]  }
0x101: {  	v6 =	vadd.f32 v7, v6;
	v7 =	vmul.f32 v13, v11;
	v11 =	vld [tilespmem:s19+$0xC00]  }
0x102: {  	v13 =	vld [tilespmem:s19+$0x8C00]  }
0x103: {  	v6 =	vadd.f32 v7, v6;
	v7 =	vmul.f32 v12, v10;
	v10 =	vld [tilespmem:s19+$0xC10]  }
0x104: {  	v12 =	vld [tilespmem:s19+$0x8C10]  }
0x105: {  	v6 =	vadd.f32 v7, v6;
	v7 =	vmul.f32 v9, v8;
	v8 =	vld [tilespmem:s19+$0xC20]  }
0x106: {  	v9 =	vld [tilespmem:s19+$0x8C20]  }
0x107: {  	v6 =	vadd.f32 v7, v6;
	v7 =	vmul.f32 v13, v11;
	v11 =	vld [tilespmem:s19+$0xC30]  }
0x108: {  	v13 =	vld [tilespmem:s19+$0x8C30]  }
0x109: {  	v6 =	vadd.f32 v7, v6;
	v7 =	vmul.f32 v12, v10;
	v10 =	vld [tilespmem:s19+$0xC40]  }
0x10a: {  	v12 =	vld [tilespmem:s19+$0x8C40]  }
0x10b: {  	v6 =	vadd.f32 v7, v6;
	v7 =	vmul.f32 v9, v8;
	v8 =	vld [tilespmem:s19+$0xC50]  }
0x10c: {  	v9 =	vld [tilespmem:s19+$0x8C50]  }
0x10d: {  	v6 =	vadd.f32 v7, v6;
	v7 =	vmul.f32 v13, v11;
	v11 =	vld [tilespmem:s19+$0xC60]  }
0x10e: {  	v13 =	vld [tilespmem:s19+$0x8C60]  }
0x10f: {  	v6 =	vadd.f32 v7, v6;
	v7 =	vmul.f32 v12, v10;
	v10 =	vld [tilespmem:s19+$0xC70]  }
0x110: {  	v12 =	vld [tilespmem:s19+$0x8C70]  }
0x111: {  	v6 =	vadd.f32 v7, v6;
	v7 =	vmul.f32 v9, v8;
	v8 =	vld [tilespmem:s19+$0x1000]  }
0x112: {  	v9 =	vld [tilespmem:s19+$0x9000]  }
0x113: {  	v6 =	vadd.f32 v7, v6;
	v7 =	vmul.f32 v13, v11;
	v11 =	vld [tilespmem:s19+$0x1010]  }
0x114: {  	v13 =	vld [tilespmem:s19+$0x9010]  }
0x115: {  	v6 =	vadd.f32 v7, v6;
	v7 =	vmul.f32 v12, v10;
	v10 =	vld [tilespmem:s19+$0x1020]  }
0x116: {  	v12 =	vld [tilespmem:s19+$0x9020]  }
0x117: {  	v6 =	vadd.f32 v7, v6;
	v7 =	vmul.f32 v9, v8;
	v8 =	vld [tilespmem:s19+$0x1030]  }
0x118: {  	v9 =	vld [tilespmem:s19+$0x9030]  }
0x119: {  	v6 =	vadd.f32 v7, v6;
	v7 =	vmul.f32 v13, v11;
	v11 =	vld [tilespmem:s19+$0x1040]  }
0x11a: {  	v13 =	vld [tilespmem:s19+$0x9040]  }
0x11b: {  	v6 =	vadd.f32 v7, v6;
	v7 =	vmul.f32 v12, v10;
	v10 =	vld [tilespmem:s19+$0x1050]  }
0x11c: {  	v12 =	vld [tilespmem:s19+$0x9050]  }
0x11d: {  	v6 =	vadd.f32 v7, v6;
	v7 =	vmul.f32 v9, v8;
	v8 =	vld [tilespmem:s19+$0x1060]  }
0x11e: {  	v9 =	vld [tilespmem:s19+$0x9060]  }
0x11f: {  	v6 =	vadd.f32 v7, v6;
	v7 =	vmul.f32 v13, v11;
	v11 =	vld [tilespmem:s19+$0x1070]  }
0x120: {  	v13 =	vld [tilespmem:s19+$0x9070]  }
0x121: {  	v6 =	vadd.f32 v7, v6;
	v7 =	vmul.f32 v12, v10;
	v10 =	vld [tilespmem:s19+$0x1400]  }
0x122: {  	v12 =	vld [tilespmem:s19+$0x9400]  }
0x123: {  	v6 =	vadd.f32 v7, v6;
	v7 =	vmul.f32 v9, v8;
	v8 =	vld [tilespmem:s19+$0x1410]  }
0x124: {  	v9 =	vld [tilespmem:s19+$0x9410]  }
0x125: {  	v6 =	vadd.f32 v7, v6;
	v7 =	vmul.f32 v13, v11;
	v11 =	vld [tilespmem:s19+$0x1420]  }
0x126: {  	v13 =	vld [tilespmem:s19+$0x9420]  }
0x127: {  	v6 =	vadd.f32 v7, v6;
	v7 =	vmul.f32 v12, v10;
	v10 =	vld [tilespmem:s19+$0x1430]  }
0x128: {  	v12 =	vld [tilespmem:s19+$0x9430]  }
0x129: {  	v6 =	vadd.f32 v7, v6;
	v7 =	vmul.f32 v9, v8;
	v8 =	vld [tilespmem:s19+$0x1440]  }
0x12a: {  	v9 =	vld [tilespmem:s19+$0x9440]  }
0x12b: {  	v6 =	vadd.f32 v7, v6;
	v7 =	vmul.f32 v13, v11;
	v11 =	vld [tilespmem:s19+$0x1450]  }
0x12c: {  	v13 =	vld [tilespmem:s19+$0x9450]  }
0x12d: {  	v6 =	vadd.f32 v7, v6;
	v7 =	vmul.f32 v12, v10;
	v10 =	vld [tilespmem:s19+$0x1460]  }
0x12e: {  	v12 =	vld [tilespmem:s19+$0x9460]  }
0x12f: {  	v6 =	vadd.f32 v7, v6;
	v7 =	vmul.f32 v9, v8;
	v8 =	vld [tilespmem:s19+$0x1470]  }
0x130: {  	v9 =	vld [tilespmem:s19+$0x9470]  }
0x131: {  	v6 =	vadd.f32 v7, v6;
	v7 =	vmul.f32 v13, v11;
	v11 =	vld [tilespmem:s19+$0x1800]  }
0x132: {  	v13 =	vld [tilespmem:s19+$0x9800]  }
0x133: {  	v6 =	vadd.f32 v7, v6;
	v7 =	vmul.f32 v12, v10;
	v10 =	vld [tilespmem:s19+$0x1810]  }
0x134: {  	v12 =	vld [tilespmem:s19+$0x9810]  }
0x135: {  	v6 =	vadd.f32 v7, v6;
	v7 =	vmul.f32 v9, v8;
	v8 =	vld [tilespmem:s19+$0x1820]  }
0x136: {  	v9 =	vld [tilespmem:s19+$0x9820]  }
0x137: {  	v6 =	vadd.f32 v7, v6;
	v7 =	vmul.f32 v13, v11;
	v11 =	vld [tilespmem:s19+$0x1830]  }
0x138: {  	v13 =	vld [tilespmem:s19+$0x9830]  }
0x139: {  	v6 =	vadd.f32 v7, v6;
	v7 =	vmul.f32 v12, v10;
	v10 =	vld [tilespmem:s19+$0x1840]  }
0x13a: {  	v12 =	vld [tilespmem:s19+$0x9840]  }
0x13b: {  	v6 =	vadd.f32 v7, v6;
	v7 =	vmul.f32 v9, v8;
	v8 =	vld [tilespmem:s19+$0x1850]  }
0x13c: {  	s16 =	sadd.s32 $0x1, s16;
	v9 =	vld [tilespmem:s19+$0x9850]  }
0x13d: {  	s20 =	sand.u32 $0x7, s16;
	v6 =	vadd.f32 v7, v6;
	v7 =	vmul.f32 v13, v11;
	v11 =	vld [tilespmem:s19+$0x1860]  }
0x13e: {  	s3 =	sadd.s32 $0x400, s3;
	s20 =	sshll.u32 s20, $0x7;
	v13 =	vld [tilespmem:s19+$0x9860]  }
0x13f: {  	s20 =	sadd.s32 s20, s3;
	v6 =	vadd.f32 v7, v6;
	v7 =	vmul.f32 v12, v10;
	v10 =	vld [tilespmem:s19+$0x1870]  }
0x140: {  	v12 =	vld [tilespmem:s19+$0x9870];
	s19 =	sor.u32 $0x1C00, s20  }
0x141: {  	v6 =	vadd.f32 v7, v6;
	v7 =	vmul.f32 v9, v8;
	v8 =	vld [tilespmem:s19+$0x0]  }
0x142: {  	v9 =	vld [tilespmem:s19+$0x8000];
	s19 =	sor.u32 $0x1C10, s20  }
0x143: {  	v6 =	vadd.f32 v7, v6;
	v7 =	vmul.f32 v13, v11;
	v11 =	vld [tilespmem:s19+$0x0]  }
0x144: {  	v13 =	vld [tilespmem:s19+$0x8000];
	s19 =	sor.u32 $0x1C20, s20  }
0x145: {  	v6 =	vadd.f32 v7, v6;
	v7 =	vmul.f32 v12, v10;
	v10 =	vld [tilespmem:s19+$0x0]  }
0x146: {  	v12 =	vld [tilespmem:s19+$0x8000];
	s19 =	sor.u32 $0x1C30, s20  }
0x147: {  	v6 =	vadd.f32 v7, v6;
	v7 =	vmul.f32 v9, v8;
	v8 =	vld [tilespmem:s19+$0x0]  }
0x148: {  	v14 =	vld [tilespmem:s19+$0x8000];
	s19 =	sor.u32 $0x1C40, s20  }
0x149: {  	v6 =	vadd.f32 v7, v6;
	v7 =	vmul.f32 v13, v11;
	v11 =	vld [tilespmem:s19+$0x0]  }
0x14a: {  	v13 =	vld [tilespmem:s19+$0x8000];
	s19 =	sor.u32 $0x1C50, s20  }
0x14b: {  	v6 =	vadd.f32 v7, v6;
	v10 =	vmul.f32 v12, v10;
	v7 =	vld [tilespmem:s19+$0x0]  }
.Ltmp0:
0x14c: {  	v9 =	vld [tilespmem:s19+$0x8000];
	s19 =	sor.u32 $0x1C60, s20;
	(pc) =	sbr.rel @p1 .LBB2_2-.Ltmp0, $4  }
0x14d: {  	v12 =	vadd.f32 v10, v6;
	v8 =	vmul.f32 v14, v8;
	v6 =	vld [tilespmem:s19+$0x0]  }
0x14e: {  	s17 =	sadd.s32 $0x400, s17;
	s21 =	sor.u32 $0x1C70, s20;
	v10 =	vld [tilespmem:s19+$0x8000]  }
0x14f: {  	s15 =	sadd.s32 $0x1, s15;
	s19 =	sadd.s32 $0x8000, s17;
	v12 =	vadd.f32 v8, v12;
	v13 =	vmul.f32 v13, v11;
	v8 =	vld [tilespmem:s21+$0x0]  }
0x150: {  	s20 =	sand.u32 $0x380, s18;
	s18 =	sadd.s32 $0x80, s18;
	s19 =	sand.u32 $0x6000, s19;
	v11 =	vld [tilespmem:s21+$0x8000]  }
0x151: {  	s17 =	sor.u32 s20, s19  }
0x152: {  	v14 =	vld [tilespmem:s17+$0x0]  }
0x153: {  	v15 =	vld [tilespmem:s17+$0x8000]  }
0x154: {  	v16 =	vld [tilespmem:s17+$0x10]  }
0x155: {  	v17 =	vld [tilespmem:s17+$0x8010]  }
0x156: {  	v18 =	vld [tilespmem:s17+$0x20]  }
0x157: {  	v19 =	vld [tilespmem:s17+$0x8020]  }
0x158: {  	v40 =	vld [tilespmem:s17+$0x30];
	v14 =	vmul.f32 v15, v14  }
0x159: {  	v20 =	vld [tilespmem:s17+$0x8030]  }
0x15a: {  	v41 =	vld [tilespmem:s17+$0x40];
	v16 =	vmul.f32 v17, v16;
	v14 =	vadd.f32 $0.0e+00, v14  }
0x15b: {  	v21 =	vld [tilespmem:s17+$0x8040]  }
0x15c: {  	v43 =	vld [tilespmem:s17+$0x50];
	v42 =	vmul.f32 v19, v18;
	v14 =	vadd.f32 v16, v14  }
0x15d: {  	v44 =	vld [tilespmem:s17+$0x8050]  }
0x15e: {  	v45 =	vld [tilespmem:s17+$0x60];
	v15 =	vmul.f32 v20, v40;
	v14 =	vadd.f32 v42, v14  }
0x15f: {  	v46 =	vld [tilespmem:s17+$0x8060]  }
0x160: {  	v48 =	vld [tilespmem:s17+$0x70];
	v47 =	vmul.f32 v21, v41;
	v14 =	vadd.f32 v15, v14  }
0x161: {  	v49 =	vld [tilespmem:s17+$0x8070]  }
0x162: {  	v51 =	vld [tilespmem:s17+$0x400];
	v50 =	vmul.f32 v44, v43;
	v14 =	vadd.f32 v47, v14  }
0x163: {  	v52 =	vld [tilespmem:s17+$0x8400]  }
0x164: {  	v54 =	vld [tilespmem:s17+$0x410];
	v53 =	vmul.f32 v46, v45;
	v14 =	vadd.f32 v50, v14  }
0x165: {  	v55 =	vld [tilespmem:s17+$0x8410]  }
0x166: {  	v57 =	vld [tilespmem:s17+$0x420];
	v56 =	vmul.f32 v49, v48;
	v14 =	vadd.f32 v53, v14  }
0x167: {  	v58 =	vld [tilespmem:s17+$0x8420]  }
0x168: {  	v60 =	vld [tilespmem:s17+$0x430];
	v59 =	vmul.f32 v52, v51;
	v14 =	vadd.f32 v56, v14  }
0x169: {  	v61 =	vld [tilespmem:s17+$0x8430]  }
0x16a: {  	v63 =	vld [tilespmem:s17+$0x440];
	v62 =	vmul.f32 v55, v54;
	v14 =	vadd.f32 v59, v14  }
0x16b: {  	v24 =	vld [tilespmem:s17+$0x8440]  }
0x16c: {  	v26 =	vld [tilespmem:s17+$0x450];
	v25 =	vmul.f32 v58, v57;
	v14 =	vadd.f32 v62, v14  }
0x16d: {  	v27 =	vld [tilespmem:s17+$0x8450]  }
0x16e: {  	v29 =	vld [tilespmem:s17+$0x460];
	v28 =	vmul.f32 v61, v60;
	v14 =	vadd.f32 v25, v14  }
0x16f: {  	v30 =	vld [tilespmem:s17+$0x8460]  }
0x170: {  	v32 =	vld [tilespmem:s17+$0x470];
	v31 =	vmul.f32 v24, v63;
	v14 =	vadd.f32 v28, v14  }
0x171: {  	v33 =	vld [tilespmem:s17+$0x8470]  }
0x172: {  	v35 =	vld [tilespmem:s17+$0x800];
	v34 =	vmul.f32 v27, v26;
	v14 =	vadd.f32 v31, v14  }
0x173: {  	v36 =	vld [tilespmem:s17+$0x8800]  }
0x174: {  	v38 =	vld [tilespmem:s17+$0x810];
	v37 =	vmul.f32 v30, v29;
	v14 =	vadd.f32 v34, v14  }
0x175: {  	v39 =	vld [tilespmem:s17+$0x8810]  }
0x176: {  	v40 =	vmul.f32 v33, v32;
	v41 =	vld [tilespmem:s17+$0x820];
	v14 =	vadd.f32 v37, v14  }
0x177: {  	v42 =	vld [tilespmem:s17+$0x8820]  }
0x178: {  	v43 =	vmul.f32 v36, v35;
	v44 =	vld [tilespmem:s17+$0x830];
	v14 =	vadd.f32 v40, v14  }
0x179: {  	v45 =	vld [tilespmem:s17+$0x8830]  }
0x17a: {  	v46 =	vmul.f32 v39, v38;
	v48 =	vld [tilespmem:s17+$0x8840];
	v14 =	vadd.f32 v43, v14  }
0x17b: {  	v47 =	vld [tilespmem:s17+$0x840]  }
0x17c: {  	v51 =	vld [tilespmem:s17+$0x8850];
	v49 =	vmul.f32 v42, v41;
	v14 =	vadd.f32 v46, v14  }
0x17d: {  	v50 =	vld [tilespmem:s17+$0x850]  }
0x17e: {  	v54 =	vld [tilespmem:s17+$0x8860];
	v52 =	vmul.f32 v45, v44;
	v14 =	vadd.f32 v49, v14  }
0x17f: {  	v53 =	vld [tilespmem:s17+$0x860]  }
0x180: {  	v57 =	vld [tilespmem:s17+$0x8870];
	v55 =	vmul.f32 v48, v47;
	v14 =	vadd.f32 v52, v14  }
0x181: {  	v56 =	vld [tilespmem:s17+$0x870]  }
0x182: {  	v60 =	vld [tilespmem:s17+$0x8C00];
	v58 =	vmul.f32 v51, v50;
	v14 =	vadd.f32 v55, v14  }
0x183: {  	v59 =	vld [tilespmem:s17+$0xC00]  }
0x184: {  	v63 =	vld [tilespmem:s17+$0x8C10];
	v61 =	vmul.f32 v54, v53;
	v14 =	vadd.f32 v58, v14  }
0x185: {  	v62 =	vld [tilespmem:s17+$0xC10]  }
0x186: {  	v24 =	vld [tilespmem:s17+$0xC20];
	v23 =	vmul.f32 v57, v56;
	v14 =	vadd.f32 v61, v14  }
0x187: {  	v25 =	vld [tilespmem:s17+$0x8C20]  }
0x188: {  	v27 =	vld [tilespmem:s17+$0xC30];
	v26 =	vmul.f32 v60, v59;
	v14 =	vadd.f32 v23, v14  }
0x189: {  	v28 =	vld [tilespmem:s17+$0x8C30]  }
0x18a: {  	v30 =	vld [tilespmem:s17+$0xC40];
	v29 =	vmul.f32 v63, v62;
	v14 =	vadd.f32 v26, v14  }
0x18b: {  	v31 =	vld [tilespmem:s17+$0x8C40]  }
0x18c: {  	v33 =	vld [tilespmem:s17+$0xC50];
	v32 =	vmul.f32 v25, v24;
	v14 =	vadd.f32 v29, v14  }
0x18d: {  	v34 =	vld [tilespmem:s17+$0x8C50]  }
0x18e: {  	v36 =	vld [tilespmem:s17+$0xC60];
	v35 =	vmul.f32 v28, v27;
	v14 =	vadd.f32 v32, v14  }
0x18f: {  	v37 =	vld [tilespmem:s17+$0x8C60]  }
0x190: {  	v39 =	vld [tilespmem:s17+$0xC70];
	v38 =	vmul.f32 v31, v30;
	v14 =	vadd.f32 v35, v14  }
0x191: {  	v40 =	vld [tilespmem:s17+$0x8C70]  }
0x192: {  	v42 =	vld [tilespmem:s17+$0x1000];
	v41 =	vmul.f32 v34, v33;
	v14 =	vadd.f32 v38, v14  }
0x193: {  	v43 =	vld [tilespmem:s17+$0x9000]  }
0x194: {  	v45 =	vld [tilespmem:s17+$0x1010];
	v44 =	vmul.f32 v37, v36;
	v14 =	vadd.f32 v41, v14  }
0x195: {  	v46 =	vld [tilespmem:s17+$0x9010]  }
0x196: {  	v48 =	vld [tilespmem:s17+$0x1020];
	v47 =	vmul.f32 v40, v39;
	v14 =	vadd.f32 v44, v14  }
0x197: {  	v49 =	vld [tilespmem:s17+$0x9020]  }
0x198: {  	v51 =	vld [tilespmem:s17+$0x1030];
	v50 =	vmul.f32 v43, v42;
	v14 =	vadd.f32 v47, v14  }
0x199: {  	v52 =	vld [tilespmem:s17+$0x9030]  }
0x19a: {  	v54 =	vld [tilespmem:s17+$0x1040];
	v53 =	vmul.f32 v46, v45;
	v14 =	vadd.f32 v50, v14  }
0x19b: {  	v55 =	vld [tilespmem:s17+$0x9040]  }
0x19c: {  	v57 =	vld [tilespmem:s17+$0x1050];
	v56 =	vmul.f32 v49, v48;
	v14 =	vadd.f32 v53, v14  }
0x19d: {  	v58 =	vld [tilespmem:s17+$0x9050]  }
0x19e: {  	v60 =	vld [tilespmem:s17+$0x1060];
	v59 =	vmul.f32 v52, v51;
	v14 =	vadd.f32 v56, v14  }
0x19f: {  	v61 =	vld [tilespmem:s17+$0x9060]  }
0x1a0: {  	v63 =	vld [tilespmem:s17+$0x1070];
	v62 =	vmul.f32 v55, v54;
	v14 =	vadd.f32 v59, v14  }
0x1a1: {  	v24 =	vld [tilespmem:s17+$0x9070]  }
0x1a2: {  	v27 =	vld [tilespmem:s17+$0x9400];
	v25 =	vmul.f32 v58, v57;
	v14 =	vadd.f32 v62, v14  }
0x1a3: {  	v26 =	vld [tilespmem:s17+$0x1400]  }
0x1a4: {  	v30 =	vld [tilespmem:s17+$0x9410];
	v28 =	vmul.f32 v61, v60;
	v14 =	vadd.f32 v25, v14  }
0x1a5: {  	v29 =	vld [tilespmem:s17+$0x1410]  }
0x1a6: {  	v31 =	vmul.f32 v24, v63;
	v33 =	vld [tilespmem:s17+$0x9420];
	v14 =	vadd.f32 v28, v14  }
0x1a7: {  	v32 =	vld [tilespmem:s17+$0x1420]  }
0x1a8: {  	v36 =	vld [tilespmem:s17+$0x9430];
	v34 =	vmul.f32 v27, v26;
	v14 =	vadd.f32 v31, v14  }
0x1a9: {  	v35 =	vld [tilespmem:s17+$0x1430]  }
0x1aa: {  	v39 =	vld [tilespmem:s17+$0x9440];
	v37 =	vmul.f32 v30, v29;
	v14 =	vadd.f32 v34, v14  }
0x1ab: {  	v38 =	vld [tilespmem:s17+$0x1440]  }
0x1ac: {  	v42 =	vld [tilespmem:s17+$0x9450];
	v40 =	vmul.f32 v33, v32;
	v14 =	vadd.f32 v37, v14  }
0x1ad: {  	v41 =	vld [tilespmem:s17+$0x1450]  }
0x1ae: {  	v45 =	vld [tilespmem:s17+$0x9460];
	v43 =	vmul.f32 v36, v35;
	v14 =	vadd.f32 v40, v14  }
0x1af: {  	v44 =	vld [tilespmem:s17+$0x1460]  }
0x1b0: {  	v48 =	vld [tilespmem:s17+$0x9470];
	v46 =	vmul.f32 v39, v38;
	v14 =	vadd.f32 v43, v14  }
0x1b1: {  	v47 =	vld [tilespmem:s17+$0x1470]  }
0x1b2: {  	v51 =	vld [tilespmem:s17+$0x9800];
	v49 =	vmul.f32 v42, v41;
	v14 =	vadd.f32 v46, v14  }
0x1b3: {  	v50 =	vld [tilespmem:s17+$0x1800]  }
0x1b4: {  	v54 =	vld [tilespmem:s17+$0x9810];
	v52 =	vmul.f32 v45, v44;
	v14 =	vadd.f32 v49, v14  }
0x1b5: {  	v53 =	vld [tilespmem:s17+$0x1810]  }
0x1b6: {  	v57 =	vld [tilespmem:s17+$0x9820];
	v55 =	vmul.f32 v48, v47;
	v14 =	vadd.f32 v52, v14  }
0x1b7: {  	v56 =	vld [tilespmem:s17+$0x1820]  }
0x1b8: {  	v60 =	vld [tilespmem:s17+$0x9830];
	v58 =	vmul.f32 v51, v50;
	v14 =	vadd.f32 v55, v14  }
0x1b9: {  	v59 =	vld [tilespmem:s17+$0x1830]  }
0x1ba: {  	v63 =	vld [tilespmem:s17+$0x9840];
	v61 =	vmul.f32 v54, v53;
	v14 =	vadd.f32 v58, v14  }
0x1bb: {  	v62 =	vld [tilespmem:s17+$0x1840]  }
0x1bc: {  	v26 =	vld [tilespmem:s17+$0x9850];
	v24 =	vmul.f32 v57, v56;
	v14 =	vadd.f32 v61, v14  }
0x1bd: {  	s16 =	sadd.s32 $0x1, s16;
	v25 =	vld [tilespmem:s17+$0x1850]  }
0x1be: {  	s16 =	sand.u32 $0x7, s16;
	v29 =	vld [tilespmem:s17+$0x9860];
	v27 =	vmul.f32 v60, v59;
	v14 =	vadd.f32 v24, v14  }
0x1bf: {  	s3 =	sadd.s32 $0x400, s3;
	s16 =	sshll.u32 s16, $0x7;
	v28 =	vld [tilespmem:s17+$0x1860]  }
0x1c0: {  	s3 =	sadd.s32 s16, s3;
	v32 =	vld [tilespmem:s17+$0x9870];
	v30 =	vmul.f32 v63, v62;
	v14 =	vadd.f32 v27, v14  }
0x1c1: {  	s16 =	sor.u32 $0x1C00, s3;
	v31 =	vld [tilespmem:s17+$0x1870]  }
0x1c2: {  	v35 =	vld [tilespmem:s16+$0x8000];
	v33 =	vmul.f32 v26, v25;
	v14 =	vadd.f32 v30, v14  }
0x1c3: {  	s20 =	sor.u32 $0x1C10, s3;
	v34 =	vld [tilespmem:s16+$0x0]  }
0x1c4: {  	v38 =	vld [tilespmem:s20+$0x8000];
	v36 =	vmul.f32 v29, v28;
	v14 =	vadd.f32 v33, v14  }
0x1c5: {  	s21 =	sor.u32 $0x1C20, s3;
	v37 =	vld [tilespmem:s20+$0x0]  }
0x1c6: {  	v41 =	vld [tilespmem:s21+$0x8000];
	v39 =	vmul.f32 v32, v31;
	v14 =	vadd.f32 v36, v14  }
0x1c7: {  	s17 =	sor.u32 $0x1C30, s3;
	v40 =	vld [tilespmem:s21+$0x0]  }
0x1c8: {  	v44 =	vld [tilespmem:s17+$0x8000];
	v42 =	vmul.f32 v35, v34;
	v14 =	vadd.f32 v39, v14  }
0x1c9: {  	s18 =	sor.u32 $0x1C40, s3;
	v43 =	vld [tilespmem:s17+$0x0]  }
0x1ca: {  	v47 =	vld [tilespmem:s18+$0x8000];
	v45 =	vmul.f32 v38, v37;
	v14 =	vadd.f32 v42, v14  }
0x1cb: {  	s19 =	sor.u32 $0x1C50, s3;
	v46 =	vld [tilespmem:s18+$0x0]  }
0x1cc: {  	v50 =	vld [tilespmem:s19+$0x8000];
	v48 =	vmul.f32 v41, v40;
	v14 =	vadd.f32 v45, v14  }
0x1cd: {  	s20 =	sor.u32 $0x1C60, s3;
	v49 =	vld [tilespmem:s19+$0x0]  }
0x1ce: {  	v53 =	vld [tilespmem:s20+$0x8000];
	v51 =	vmul.f32 v44, v43;
	v14 =	vadd.f32 v48, v14  }
0x1cf: {  	v12 =	vadd.f32 v13, v12;
	v7 =	vmul.f32 v9, v7;
	s3 =	sor.u32 $0x1C70, s3;
	v52 =	vld [tilespmem:s20+$0x0]  }
0x1d0: {  	v56 =	vld [tilespmem:s3+$0x0];
	v55 =	vmul.f32 v47, v46;
	v54 =	vadd.f32 v51, v14  }
0x1d1: {  	v7 =	vadd.f32 v7, v12;
	v6 =	vmul.f32 v10, v6;
	v57 =	vld [tilespmem:s3+$0x8000]  }
0x1d2: {  	v59 =	vmul.f32 v50, v49;
	v58 =	vadd.f32 v55, v54  }
0x1d3: {  	v6 =	vadd.f32 v6, v7;
	v7 =	vld.msk [tilespmem:s15+$0x0 ss:$0x0], $0xffff  }
0x1d4: {  	v8 =	vmul.f32 v11, v8;
	s21 =	sadd.s32 $0x1, s15;
	v9 =	vmul.f32 v53, v52;
	v60 =	vadd.f32 v59, v58  }
0x1d5: {  	v61 =	vld.msk [tilespmem:s21+$0x0 ss:$0x0], $0xffff  }
0x1d6: {  	v6 =	vadd.f32 v8, v6;
	v63 =	vmul.f32 v57, v56;
	v62 =	vadd.f32 v9, v60;
	_ =	sdelay $0x1  }
0x1d7: {  	v6 =	vmul.f32 v6, v7;
	v7 =	vadd.f32 v63, v62;
	_ =	sdelay $0x1  }
0x1d8: {  	v5 =	vadd.f32 v6, v5;
	v6 =	vmul.f32 v7, v61;
	_ =	sdelay $0x1  }
0x1d9: {  	v5 =	vadd.f32 v6, v5;
	_ =	sdelay $0x1  }
0x1da: {  	[tilespmem:$0x10180] =	vst v5  }
0x1db: {  	[hbm4b:s10+s4] =	stream.linear.scatter [tilespmem:s0], [sflag:$0x2], $0x10, $0x38;
	[tilespmem:$0x10280] =	vst v63  }
0x1dc: {  	_ =	swait.ge [sflag:s14], $0x10  }
0x1dd: {  	[sflag:s14] =	ssyncset.done $0x0  }
0x1de: {  	[sflag:s14] =	ssyncadd.s32 $0xFFFFFFF0  }
0x1df: {  	s3 =	simm.s32 @!p0 $0x0;
	s15 =	simm.s32 @!p0 $0x10080;
	s16 =	rddreg [dreg:$0x1]  }
0x1e0: {  	[tilespmem:s15], [sflag:$0x2] =	stream.linear.gather @!p0 [hbm4b:s16+s3], $0x70, $0x38;
	[tilespmem:$0x10280] =	vst v63  }
0x1e1: {  	s15 =	simm.s32 @!p0 $0x2  }
0x1e2: {  	_ =	swait.ge @!p0 [sflag:s15], $0x70  }
0x1e3: {  	[sflag:s15] =	ssyncset.done @!p0 $0x0  }
0x1e4: {  	[sflag:s15] =	ssyncadd.s32 @!p0 $0xFFFFFF90  }
0x1e5: {  	v5 =	vld @!p0 [tilespmem:$0x10080]  }
0x1e6: {  	v6 =	vld @!p0 [tilespmem:$0x10090];
	_ =	sdelay $0x1  }
0x1e7: {  	v7 =	vld @!p0 [tilespmem:$0x100A0];
	_ =	sdelay $0x1  }
0x1e8: {  	v8 =	vld @!p0 [tilespmem:$0x100B0]  }
0x1e9: {  	v5 =	vcvt.s32.f32 @!p0 v5;
	v6 =	vcvt.s32.f32 @!p0 v6  }
0x1ea: {  	v9 =	vld @!p0 [tilespmem:$0x100C0]  }
0x1eb: {  	v5 =	vadd.f32 @!p0 v6, v5;
	v6 =	vcvt.s32.f32 @!p0 v7  }
0x1ec: {  	v7 =	vld @!p0 [tilespmem:$0x100D0]  }
0x1ed: {  	v5 =	vadd.f32 @!p0 v6, v5;
	v6 =	vcvt.s32.f32 @!p0 v8;
	v8 =	vld @!p0 [tilespmem:$0x100E0];
	_ =	sdelay $0x1  }
0x1ee: {  	v5 =	vadd.f32 @!p0 v6, v5;
	v6 =	vcvt.s32.f32 @!p0 v9;
	_ =	sdelay $0x1  }
0x1ef: {  	v5 =	vadd.f32 @!p0 v6, v5;
	v6 =	vcvt.s32.f32 @!p0 v7  }
0x1f0: {  	v7 =	vcvt.s32.f32 @!p0 v8  }
0x1f1: {  	v5 =	vadd.f32 @!p0 v6, v5  }
0x1f2: {  	v6 =	vnsel @!p0 vm1, $0x0, v7  }
0x1f3: {  	v5 =	vadd.f32 @!p0 v6, v5  }
0x1f4: {  	s13 =	sadd.s32 $0x1, s13  }
0x1f5: {  	p1 =	sne.s32 s13, s12;
	[tilespmem:$0x10200] =	vst @!p0 v5;
	v5 =	vimm.f32 @!p0 $0.0e+00  }
.Ltmp1:
0x1f6: {  	s16 =	simm.s32 @!p0 $0x10200;
	[tilespmem:$0x10210] =	vst @!p0 v5;
	(pc) =	sbr.rel @p1 .LBB2_1-.Ltmp1, $4  }
0x1f7: {  	[hbm4b:s11+s3] =	stream.linear.scatter @!p0 [tilespmem:s16], [sflag:$0x2], $0x20, $0x38;
	[tilespmem:$0x10280] =	vst v63  }
0x1f8: {  	_ =	swait.ge @!p0 [sflag:s15], $0x20  }
0x1f9: {  	[sflag:s15] =	ssyncset.done @!p0 $0x0  }
0x1fa: {  	[sflag:s15] =	ssyncadd.s32 @!p0 $0xFFFFFFE0  }
0x1fb: {  	_ =	sfence.sel $0x180000  }
0x1fc: {  	[bflag:$0x0] =	sbarrier.arrive $0xFFFF  }
0x1fd: {  	_ =	strace $0x90000047  }
0x1fe: {  	s0 =	stileid.u32;
	[bflag:$0x2] =	sbarrier.arrive $0xFFFF  }
0x1ff: {  	p0 =	sne.s32 s0, $0x0;
	s0 =	rddreg [dreg:$0x3]  }
0x200: {  	s0 =	sadd.s32 @!p0 $0x100000, s0  }
0x201: {  	[sflag:s0] =	ssyncadd.tile.s32 @!p0 $0x1;
	_ =	shalt  }
.Lfunc_end2:
_tile_overlayer_lowered:
.L_overlay_start_2:
0x202: {  	(tag) =	ssettag $0x2  }
0x203: {  	s0 =	rddreg [dreg:$0x0];
	s2 =	stileid.u32  }
0x204: {  	s1 =	rddreg [dreg:$0x1];
	p0 =	sne.s32 s2, $0x0  }
0x205: {  	s3 =	rddreg [dreg:$0x2];
	[bflag:$0x3] =	sbarrier.arrive $0xFFFF;
	s2 =	simm.s32 @!p0 $0x1C02  }
0x206: {  	[timem:s3], [sflag:s2] =	dma.local @!p0 [hbm:s0], s1  }
0x207: {  	s0 =	simm.s32 @!p0 $0x2  }
0x208: {  	_ =	swait.ge @!p0 [sflag:s0], s1  }
0x209: {  	s1 =	ssub.s32 @!p0 $0x0, s1;
	[sflag:s0] =	ssyncset.done @!p0 $0x0  }
0x20a: {  	[sflag:s0] =	ssyncadd.s32 @!p0 s1  }
0x20b: {  	[bflag:$0x3] =	sbarrier.arrive $0xFFFF  }
0x20c: {  	_ =	shalt  }

</sc_bundles>
